<compile_context>
chip_gen: v7x
topology: tpu7x:2x2x1
jax: 0.10.2.dev20260603
libtpu: 0.0.44.dev20260713+nightly
codegen_flags: <defaults>
</compile_context>

<pallas_src>
import functools

import jax
import jax.numpy as jnp
from jax import lax
from jax.experimental import pallas as pl
from jax.experimental.pallas import tpu as pltpu
from jax.experimental.pallas import tpu_sc as plsc

_MAX_RANGE = 70
_DIM = 128

_NC = 2
_NS = 16
_NW = _NC * _NS
_LANES = 16

_CHUNK = 128
_NBUF = 4
_NHALF = 2
_HROWS = (_NBUF // _NHALF) * _CHUNK


def _sc_gather(idx2d, table):
    n_rows = idx2d.shape[0]
    b_total = n_rows * _CHUNK
    rows_per_w = n_rows // _NW
    n_outer = rows_per_w // _NBUF
    mesh = plsc.VectorSubcoreMesh(core_axis_name="c", subcore_axis_name="s")

    @functools.partial(
        pl.kernel,
        mesh=mesh,
        out_type=jax.ShapeDtypeStruct((b_total, _DIM), jnp.float32),
        scratch_types=[
            pltpu.VMEM_SHARED((_MAX_RANGE, _DIM), jnp.float32),
            pltpu.VMEM((2, _NBUF, _CHUNK), jnp.int32),
            pltpu.VMEM((_NBUF * _CHUNK, _DIM), jnp.float32),
            pltpu.SemaphoreType.DMA,
            pltpu.SemaphoreType.DMA,
        ] + [pltpu.SemaphoreType.DMA for _ in range(_NBUF + _NHALF)],
    )
    def k(table_hbm, idx_hbm, out_hbm, table_sh, idx_v, rows_v,
          sem_i0, sem_i1, *sems):
        sem_i = (sem_i0, sem_i1)
        sem_g = sems[:_NBUF]
        sem_o = sems[_NBUF:]
        wid = lax.axis_index("s") * _NC + lax.axis_index("c")
        row0 = wid * rows_per_w

        @pl.when(lax.axis_index("s") == 0)
        def _stage_table():
            pltpu.sync_copy(table_hbm, table_sh)

        plsc.subcore_barrier()

        def idx_load(g, ph):
            return pltpu.make_async_copy(
                idx_hbm.at[pl.ds(row0 + g * _NBUF, _NBUF)],
                idx_v.at[ph], sem_i[ph])

        def out_copy(h, cbase):
            return pltpu.make_async_copy(
                rows_v.at[pl.ds(h * _HROWS, _HROWS)],
                out_hbm.at[pl.ds(cbase, _HROWS)], sem_o[h])

        def gather(ph, b):
            return pltpu.make_async_copy(
                table_sh.at[idx_v.at[ph].at[b]],
                rows_v.at[pl.ds(b * _CHUNK, _CHUNK)], sem_g[b])

        idx_load(0, 0).start()

        def body(go, carry):
            for ph in range(2):
                g = go * 2 + ph

                @pl.when(g + 1 < n_outer)
                def _prefetch():
                    idx_load(g + 1, 1 - ph).start()

                idx_load(g, ph).wait()
                grow = row0 + g * _NBUF
                for b in range(_NBUF):
                    for i in range(_CHUNK // _LANES):
                        sl = pl.ds(i * _LANES, _LANES)
                        v = idx_v[ph, b, sl]
                        idx_v[ph, b, sl] = jnp.minimum(
                            jnp.maximum(v, 0), _MAX_RANGE - 1)
                for b in range(_NBUF):
                    cbase = grow * _CHUNK
                    if b % (_NBUF // _NHALF) == 0:
                        @pl.when(g >= 1)
                        def _wait_prev(b=b, cbase=cbase):
                            out_copy(b // (_NBUF // _NHALF), cbase).wait()

                    gather(ph, b).start()
                for h in range(_NHALF):
                    for b in range(h * (_NBUF // _NHALF),
                                   (h + 1) * (_NBUF // _NHALF)):
                        gather(ph, b).wait()
                    out_copy(h, grow * _CHUNK + h * _HROWS).start()
            return carry

        lax.fori_loop(0, n_outer // 2, body, 0)
        for h in range(_NHALF):
            out_copy(h, row0 * _CHUNK).wait()

    return k(table, idx2d)


def kernel(prior_info, embedding):
    batch, hist = prior_info.shape
    idx2d = prior_info.reshape(-1, _CHUNK).astype(jnp.int32)
    out = _sc_gather(idx2d, embedding)
    return out.reshape(batch, hist, _DIM)

# --- scband reference (transcript-rebuilt; emitter-appended) ---
"""Pipeline reference for scband-range-encoding-15882789061202 (READ-ONLY COPY).

The authoritative reference and input builder live on the scoring server;
editing this copy changes nothing except your own understanding.
"""

import jax, jax.numpy as jnp
import numpy as np

MAX_RANGE = 70
DIM = 128
BATCH = 16384
HIST = 200

def setup_inputs(seed: int = 0) -> dict:
    key = jax.random.key(seed)
    k1, k2 = jax.random.split(key)
    prior_info = jax.random.randint(k1, (BATCH, HIST), 0, MAX_RANGE, dtype=jnp.int64 if jax.config.jax_enable_x64 else jnp.int32)
    embedding = jax.random.normal(k2, (MAX_RANGE, DIM), dtype=jnp.float32) * 0.02
    return {"prior_info": prior_info, "embedding": embedding}

def reference(prior_info, embedding):
    # Faithful translation of RangeEncoding.forward (mode='context'):
    # unsqueeze if 1-D (not needed here), clamp to [0, max_range-1], cast to int, lookup.
    if prior_info.ndim == 1:
        prior_info = prior_info[None, :]
    idx = jnp.clip(prior_info, 0, MAX_RANGE - 1).astype(jnp.int32)
    return jnp.take(embedding, idx, axis=0)

if __name__ == "__main__":
    import jax
    _d = setup_inputs()
    print(jax.jit(kernel)(*tuple(_d.values())))

</pallas_src>

<mosaic_0001>
#map = affine_map<(d0, d1) -> (0, 0)>
module attributes {stable_mosaic.version = 14 : i64} {
  func.func @k(%arg0: i32, %arg1: i32, %arg2: memref<70x128xf32, #tpu.memory_space<hbm>>, %arg3: memref<25600x128xi32, #tpu.memory_space<hbm>>, %arg4: memref<3276800x128xf32, #tpu.memory_space<hbm>>, %arg5: memref<70x128xf32, #tpu.memory_space<vmem_shared>>, %arg6: memref<2x4x128xi32, #tpu.memory_space<vmem>>, %arg7: memref<512x128xf32, #tpu.memory_space<vmem>>, %arg8: memref<!tpu.dma_semaphore, #tpu.memory_space<semaphore_mem>>, %arg9: memref<!tpu.dma_semaphore, #tpu.memory_space<semaphore_mem>>, %arg10: memref<!tpu.dma_semaphore, #tpu.memory_space<semaphore_mem>>, %arg11: memref<!tpu.dma_semaphore, #tpu.memory_space<semaphore_mem>>, %arg12: memref<!tpu.dma_semaphore, #tpu.memory_space<semaphore_mem>>, %arg13: memref<!tpu.dma_semaphore, #tpu.memory_space<semaphore_mem>>, %arg14: memref<!tpu.dma_semaphore, #tpu.memory_space<semaphore_mem>>, %arg15: memref<!tpu.dma_semaphore, #tpu.memory_space<semaphore_mem>>) attributes {dimension_semantics = [#tpu.dimension_semantics<core_parallel>, #tpu.dimension_semantics<subcore_parallel>], iteration_bounds = array<i64: 2, 16>, scalar_prefetch = 0 : i64, scratch_operands = 11 : i64, tpu.core_type = #tpu.core_type<sc_vector_subcore>, window_params = [{transform_indices = #map}, {transform_indices = #map}, {transform_indices = #map}]} {
    %mul3A = arith.constant 2 : i32
    %mul3A_0 = arith.muli %arg1, %mul3A : i32
    %add3A = arith.addi %mul3A_0, %arg0 : i32
    %mul3A_1 = arith.constant 800 : i32
    %mul3A_2 = arith.muli %add3A, %mul3A_1 : i32
    %eq3A = arith.constant 0 : i32
    %eq3A_3 = arith.cmpi eq, %arg1, %eq3A : i32
    %convert_element_type3A = arith.extui %eq3A_3 : i1 to i32
    %cond3A = arith.constant 0 : i32
    %cond3A_4 = arith.cmpi ne, %convert_element_type3A, %cond3A : i32
    scf.if %cond3A_4 {
      "tpu.region"() ({
        %run_scoped3A = tpu.sem_alloc : memref<!tpu.dma_semaphore, #tpu.memory_space<semaphore_mem>>
        tpu.enqueue_dma source(%arg2 : memref<70x128xf32, #tpu.memory_space<hbm>>) target(%arg5 : memref<70x128xf32, #tpu.memory_space<vmem_shared>>) target_semaphore(%run_scoped3A : memref<!tpu.dma_semaphore, #tpu.memory_space<semaphore_mem>>)
        tpu.wait_dma2 semaphore(%run_scoped3A : memref<!tpu.dma_semaphore, #tpu.memory_space<semaphore_mem>>) src(%arg2 : memref<70x128xf32, #tpu.memory_space<hbm>>) dst(%arg5 : memref<70x128xf32, #tpu.memory_space<vmem_shared>>)
        tpu.yield
      }) : () -> ()
    } else {
    }
    %barrier3A = arith.constant 0 : index
    tpu.barrier barrier_id(%barrier3A)
    %add3A_5 = arith.constant 0 : i32
    %add3A_6 = arith.addi %mul3A_2, %add3A_5 : i32
    %dma_start3A = arith.constant 0 : i32
    %dma_start3A_7 = arith.constant 0 : i32
    %dma_start3A_8 = arith.constant 0 : i32
    %dma_start3A_9 = tpu.memref_slice %arg6[%dma_start3A, %dma_start3A_7, %dma_start3A_8] : memref<2x4x128xi32, #tpu.memory_space<vmem>> -> memref<1x4x128xi32, #tpu.memory_space<vmem>>
    %dma_start3A_10 = tpu.memref_squeeze %dma_start3A_9 : memref<1x4x128xi32, #tpu.memory_space<vmem>> -> memref<4x128xi32, #tpu.memory_space<vmem>>
    %dma_start3A_11 = arith.constant 0 : i32
    %dma_start3A_12 = tpu.memref_slice %arg3[%add3A_6, %dma_start3A_11] : memref<25600x128xi32, #tpu.memory_space<hbm>> -> memref<4x128xi32, #tpu.memory_space<hbm>>
    %dma_start3A_13 = arith.constant 0 : i32
    %dma_start3A_14 = arith.constant 0 : i32
    %dma_start3A_15 = tpu.memref_slice %arg6[%dma_start3A, %dma_start3A_13, %dma_start3A_14] : memref<2x4x128xi32, #tpu.memory_space<vmem>> -> memref<1x4x128xi32, #tpu.memory_space<vmem>>
    %dma_start3A_16 = tpu.memref_squeeze %dma_start3A_15 : memref<1x4x128xi32, #tpu.memory_space<vmem>> -> memref<4x128xi32, #tpu.memory_space<vmem>>
    %dma_start3A_17 = arith.constant 0 : i32
    %dma_start3A_18 = tpu.memref_slice %arg3[%add3A_6, %dma_start3A_17] : memref<25600x128xi32, #tpu.memory_space<hbm>> -> memref<4x128xi32, #tpu.memory_space<hbm>>
    tpu.enqueue_dma source(%dma_start3A_18 : memref<4x128xi32, #tpu.memory_space<hbm>>) target(%dma_start3A_16 : memref<4x128xi32, #tpu.memory_space<vmem>>) target_semaphore(%arg8 : memref<!tpu.dma_semaphore, #tpu.memory_space<semaphore_mem>>)
    %scan3A = arith.constant 0 : i32
    %scan3A_19 = arith.constant 0 : i32
    %scan3A_20 = arith.constant 100 : i32
    %scan3A_21 = arith.addi %scan3A_19, %scan3A_20 : i32
    %scan3A_22 = arith.constant 1 : i32
    scf.for %scan3A_47 = %scan3A_19 to %scan3A_21 step %scan3A_22  : i32 {
      %mul3A_48 = arith.constant 2 : i32
      %mul3A_49 = arith.muli %scan3A_47, %mul3A_48 : i32
      %add3A_50 = arith.constant 0 : i32
      %add3A_51 = arith.addi %mul3A_49, %add3A_50 : i32
      %add3A_52 = arith.constant 1 : i32
      %add3A_53 = arith.addi %add3A_51, %add3A_52 : i32
      %lt3A = arith.constant 200 : i32
      %lt3A_54 = arith.cmpi slt, %add3A_53, %lt3A : i32
      %convert_element_type3A_55 = arith.extui %lt3A_54 : i1 to i32
      %cond3A_56 = arith.constant 0 : i32
      %cond3A_57 = arith.cmpi ne, %convert_element_type3A_55, %cond3A_56 : i32
      scf.if %cond3A_57 {
        %add3A_1778 = arith.constant 1 : i32
        %add3A_1779 = arith.addi %add3A_51, %add3A_1778 : i32
        %mul3A_1780 = arith.constant 4 : i32
        %mul3A_1781 = arith.muli %add3A_1779, %mul3A_1780 : i32
        %add3A_1782 = arith.addi %mul3A_2, %mul3A_1781 : i32
        %dma_start3A_1783 = arith.constant 1 : i32
        %dma_start3A_1784 = arith.constant 0 : i32
        %dma_start3A_1785 = arith.constant 0 : i32
        %dma_start3A_1786 = tpu.memref_slice %arg6[%dma_start3A_1783, %dma_start3A_1784, %dma_start3A_1785] : memref<2x4x128xi32, #tpu.memory_space<vmem>> -> memref<1x4x128xi32, #tpu.memory_space<vmem>>
        %dma_start3A_1787 = tpu.memref_squeeze %dma_start3A_1786 : memref<1x4x128xi32, #tpu.memory_space<vmem>> -> memref<4x128xi32, #tpu.memory_space<vmem>>
        %dma_start3A_1788 = arith.constant 0 : i32
        %dma_start3A_1789 = tpu.memref_slice %arg3[%add3A_1782, %dma_start3A_1788] : memref<25600x128xi32, #tpu.memory_space<hbm>> -> memref<4x128xi32, #tpu.memory_space<hbm>>
        %dma_start3A_1790 = arith.constant 0 : i32
        %dma_start3A_1791 = arith.constant 0 : i32
        %dma_start3A_1792 = tpu.memref_slice %arg6[%dma_start3A_1783, %dma_start3A_1790, %dma_start3A_1791] : memref<2x4x128xi32, #tpu.memory_space<vmem>> -> memref<1x4x128xi32, #tpu.memory_space<vmem>>
        %dma_start3A_1793 = tpu.memref_squeeze %dma_start3A_1792 : memref<1x4x128xi32, #tpu.memory_space<vmem>> -> memref<4x128xi32, #tpu.memory_space<vmem>>
        %dma_start3A_1794 = arith.constant 0 : i32
        %dma_start3A_1795 = tpu.memref_slice %arg3[%add3A_1782, %dma_start3A_1794] : memref<25600x128xi32, #tpu.memory_space<hbm>> -> memref<4x128xi32, #tpu.memory_space<hbm>>
        tpu.enqueue_dma source(%dma_start3A_1795 : memref<4x128xi32, #tpu.memory_space<hbm>>) target(%dma_start3A_1793 : memref<4x128xi32, #tpu.memory_space<vmem>>) target_semaphore(%arg9 : memref<!tpu.dma_semaphore, #tpu.memory_space<semaphore_mem>>)
      } else {
      }
      %mul3A_58 = arith.constant 4 : i32
      %mul3A_59 = arith.muli %add3A_51, %mul3A_58 : i32
      %add3A_60 = arith.addi %mul3A_2, %mul3A_59 : i32
      %dma_wait3A_61 = arith.constant 0 : i32
      %dma_wait3A_62 = arith.constant 0 : i32
      %dma_wait3A_63 = arith.constant 0 : i32
      %dma_wait3A_64 = tpu.memref_slice %arg6[%dma_wait3A_61, %dma_wait3A_62, %dma_wait3A_63] : memref<2x4x128xi32, #tpu.memory_space<vmem>> -> memref<1x4x128xi32, #tpu.memory_space<vmem>>
      %dma_wait3A_65 = tpu.memref_squeeze %dma_wait3A_64 : memref<1x4x128xi32, #tpu.memory_space<vmem>> -> memref<4x128xi32, #tpu.memory_space<vmem>>
      %dma_wait3A_66 = arith.constant 0 : i32
      %dma_wait3A_67 = tpu.memref_slice %arg3[%add3A_60, %dma_wait3A_66] : memref<25600x128xi32, #tpu.memory_space<hbm>> -> memref<4x128xi32, #tpu.memory_space<hbm>>
      %dma_wait3A_68 = arith.constant 0 : i32
      %dma_wait3A_69 = arith.constant 0 : i32
      %dma_wait3A_70 = tpu.memref_slice %arg6[%dma_wait3A_61, %dma_wait3A_68, %dma_wait3A_69] : memref<2x4x128xi32, #tpu.memory_space<vmem>> -> memref<1x4x128xi32, #tpu.memory_space<vmem>>
      %dma_wait3A_71 = tpu.memref_squeeze %dma_wait3A_70 : memref<1x4x128xi32, #tpu.memory_space<vmem>> -> memref<4x128xi32, #tpu.memory_space<vmem>>
      %dma_wait3A_72 = arith.constant 0 : i32
      %dma_wait3A_73 = tpu.memref_slice %arg3[%add3A_60, %dma_wait3A_72] : memref<25600x128xi32, #tpu.memory_space<hbm>> -> memref<4x128xi32, #tpu.memory_space<hbm>>
      tpu.wait_dma2 semaphore(%arg8 : memref<!tpu.dma_semaphore, #tpu.memory_space<semaphore_mem>>) src(%dma_wait3A_73 : memref<4x128xi32, #tpu.memory_space<hbm>>) dst(%dma_wait3A_71 : memref<4x128xi32, #tpu.memory_space<vmem>>)
      %mul3A_74 = arith.constant 4 : i32
      %mul3A_75 = arith.muli %add3A_51, %mul3A_74 : i32
      %add3A_76 = arith.addi %mul3A_2, %mul3A_75 : i32
      %get3A = arith.constant 0 : i32
      %get3A_77 = arith.constant 0 : i32
      %get3A_78 = arith.index_cast %get3A : i32 to index
      %get3A_79 = arith.index_cast %get3A_77 : i32 to index
      %get3A_80 = arith.constant 0 : index
      %get3A_81 = tpu.vector_load %arg6[%get3A_78, %get3A_79, %get3A_80] {strides = array<i32>} : memref<2x4x128xi32, #tpu.memory_space<vmem>>, vector<1x1x16xi32>,
      %get3A_82 = vector.shape_cast %get3A_81 : vector<1x1x16xi32> to vector<16xi32>
      %max3A = arith.constant 0 : i32
      %max3A_83 = vector.broadcast %max3A : i32 to vector<16xi32>
      %max3A_84 = arith.maxsi %get3A_82, %max3A_83 : vector<16xi32>
      %min3A = arith.constant 69 : i32
      %min3A_85 = vector.broadcast %min3A : i32 to vector<16xi32>
      %min3A_86 = arith.minsi %max3A_84, %min3A_85 : vector<16xi32>
      %swap3A = arith.constant 0 : i32
      %swap3A_87 = arith.constant 0 : i32
      %swap3A_88 = arith.index_cast %swap3A : i32 to index
      %swap3A_89 = arith.index_cast %swap3A_87 : i32 to index
      %swap3A_90 = arith.constant 0 : index
      %swap3A_91 = tpu.vector_load %arg6[%swap3A_88, %swap3A_89, %swap3A_90] {strides = array<i32>} : memref<2x4x128xi32, #tpu.memory_space<vmem>>, vector<1x1x16xi32>,
      %swap3A_92 = vector.shape_cast %swap3A_91 : vector<1x1x16xi32> to vector<16xi32>
      %swap3A_93 = vector.shape_cast %min3A_86 : vector<16xi32> to vector<1x1x16xi32>
      tpu.vector_store %arg6[%swap3A_88, %swap3A_89, %swap3A_90], %swap3A_93 {strides = array<i32>} : memref<2x4x128xi32, #tpu.memory_space<vmem>>, vector<1x1x16xi32>,
      %get3A_94 = arith.constant 0 : i32
      %get3A_95 = arith.constant 0 : i32
      %get3A_96 = arith.index_cast %get3A_94 : i32 to index
      %get3A_97 = arith.index_cast %get3A_95 : i32 to index
      %get3A_98 = arith.constant 16 : index
      %get3A_99 = tpu.vector_load %arg6[%get3A_96, %get3A_97, %get3A_98] {strides = array<i32>} : memref<2x4x128xi32, #tpu.memory_space<vmem>>, vector<1x1x16xi32>,
      %get3A_100 = vector.shape_cast %get3A_99 : vector<1x1x16xi32> to vector<16xi32>
      %max3A_101 = arith.constant 0 : i32
      %max3A_102 = vector.broadcast %max3A_101 : i32 to vector<16xi32>
      %max3A_103 = arith.maxsi %get3A_100, %max3A_102 : vector<16xi32>
      %min3A_104 = arith.constant 69 : i32
      %min3A_105 = vector.broadcast %min3A_104 : i32 to vector<16xi32>
      %min3A_106 = arith.minsi %max3A_103, %min3A_105 : vector<16xi32>
      %swap3A_107 = arith.constant 0 : i32
      %swap3A_108 = arith.constant 0 : i32
      %swap3A_109 = arith.index_cast %swap3A_107 : i32 to index
      %swap3A_110 = arith.index_cast %swap3A_108 : i32 to index
      %swap3A_111 = arith.constant 16 : index
      %swap3A_112 = tpu.vector_load %arg6[%swap3A_109, %swap3A_110, %swap3A_111] {strides = array<i32>} : memref<2x4x128xi32, #tpu.memory_space<vmem>>, vector<1x1x16xi32>,
      %swap3A_113 = vector.shape_cast %swap3A_112 : vector<1x1x16xi32> to vector<16xi32>
      %swap3A_114 = vector.shape_cast %min3A_106 : vector<16xi32> to vector<1x1x16xi32>
      tpu.vector_store %arg6[%swap3A_109, %swap3A_110, %swap3A_111], %swap3A_114 {strides = array<i32>} : memref<2x4x128xi32, #tpu.memory_space<vmem>>, vector<1x1x16xi32>,
      %get3A_115 = arith.constant 0 : i32
      %get3A_116 = arith.constant 0 : i32
      %get3A_117 = arith.index_cast %get3A_115 : i32 to index
      %get3A_118 = arith.index_cast %get3A_116 : i32 to index
      %get3A_119 = arith.constant 32 : index
      %get3A_120 = tpu.vector_load %arg6[%get3A_117, %get3A_118, %get3A_119] {strides = array<i32>} : memref<2x4x128xi32, #tpu.memory_space<vmem>>, vector<1x1x16xi32>,
      %get3A_121 = vector.shape_cast %get3A_120 : vector<1x1x16xi32> to vector<16xi32>
      %max3A_122 = arith.constant 0 : i32
      %max3A_123 = vector.broadcast %max3A_122 : i32 to vector<16xi32>
      %max3A_124 = arith.maxsi %get3A_121, %max3A_123 : vector<16xi32>
      %min3A_125 = arith.constant 69 : i32
      %min3A_126 = vector.broadcast %min3A_125 : i32 to vector<16xi32>
      %min3A_127 = arith.minsi %max3A_124, %min3A_126 : vector<16xi32>
      %swap3A_128 = arith.constant 0 : i32
      %swap3A_129 = arith.constant 0 : i32
      %swap3A_130 = arith.index_cast %swap3A_128 : i32 to index
      %swap3A_131 = arith.index_cast %swap3A_129 : i32 to index
      %swap3A_132 = arith.constant 32 : index
      %swap3A_133 = tpu.vector_load %arg6[%swap3A_130, %swap3A_131, %swap3A_132] {strides = array<i32>} : memref<2x4x128xi32, #tpu.memory_space<vmem>>, vector<1x1x16xi32>,
      %swap3A_134 = vector.shape_cast %swap3A_133 : vector<1x1x16xi32> to vector<16xi32>
      %swap3A_135 = vector.shape_cast %min3A_127 : vector<16xi32> to vector<1x1x16xi32>
      tpu.vector_store %arg6[%swap3A_130, %swap3A_131, %swap3A_132], %swap3A_135 {strides = array<i32>} : memref<2x4x128xi32, #tpu.memory_space<vmem>>, vector<1x1x16xi32>,
      %get3A_136 = arith.constant 0 : i32
      %get3A_137 = arith.constant 0 : i32
      %get3A_138 = arith.index_cast %get3A_136 : i32 to index
      %get3A_139 = arith.index_cast %get3A_137 : i32 to index
      %get3A_140 = arith.constant 48 : index
      %get3A_141 = tpu.vector_load %arg6[%get3A_138, %get3A_139, %get3A_140] {strides = array<i32>} : memref<2x4x128xi32, #tpu.memory_space<vmem>>, vector<1x1x16xi32>,
      %get3A_142 = vector.shape_cast %get3A_141 : vector<1x1x16xi32> to vector<16xi32>
      %max3A_143 = arith.constant 0 : i32
      %max3A_144 = vector.broadcast %max3A_143 : i32 to vector<16xi32>
      %max3A_145 = arith.maxsi %get3A_142, %max3A_144 : vector<16xi32>
      %min3A_146 = arith.constant 69 : i32
      %min3A_147 = vector.broadcast %min3A_146 : i32 to vector<16xi32>
      %min3A_148 = arith.minsi %max3A_145, %min3A_147 : vector<16xi32>
      %swap3A_149 = arith.constant 0 : i32
      %swap3A_150 = arith.constant 0 : i32
      %swap3A_151 = arith.index_cast %swap3A_149 : i32 to index
      %swap3A_152 = arith.index_cast %swap3A_150 : i32 to index
      %swap3A_153 = arith.constant 48 : index
      %swap3A_154 = tpu.vector_load %arg6[%swap3A_151, %swap3A_152, %swap3A_153] {strides = array<i32>} : memref<2x4x128xi32, #tpu.memory_space<vmem>>, vector<1x1x16xi32>,
      %swap3A_155 = vector.shape_cast %swap3A_154 : vector<1x1x16xi32> to vector<16xi32>
      %swap3A_156 = vector.shape_cast %min3A_148 : vector<16xi32> to vector<1x1x16xi32>
      tpu.vector_store %arg6[%swap3A_151, %swap3A_152, %swap3A_153], %swap3A_156 {strides = array<i32>} : memref<2x4x128xi32, #tpu.memory_space<vmem>>, vector<1x1x16xi32>,
      %get3A_157 = arith.constant 0 : i32
      %get3A_158 = arith.constant 0 : i32
      %get3A_159 = arith.index_cast %get3A_157 : i32 to index
      %get3A_160 = arith.index_cast %get3A_158 : i32 to index
      %get3A_161 = arith.constant 64 : index
      %get3A_162 = tpu.vector_load %arg6[%get3A_159, %get3A_160, %get3A_161] {strides = array<i32>} : memref<2x4x128xi32, #tpu.memory_space<vmem>>, vector<1x1x16xi32>,
      %get3A_163 = vector.shape_cast %get3A_162 : vector<1x1x16xi32> to vector<16xi32>
      %max3A_164 = arith.constant 0 : i32
      %max3A_165 = vector.broadcast %max3A_164 : i32 to vector<16xi32>
      %max3A_166 = arith.maxsi %get3A_163, %max3A_165 : vector<16xi32>
      %min3A_167 = arith.constant 69 : i32
      %min3A_168 = vector.broadcast %min3A_167 : i32 to vector<16xi32>
      %min3A_169 = arith.minsi %max3A_166, %min3A_168 : vector<16xi32>
      %swap3A_170 = arith.constant 0 : i32
      %swap3A_171 = arith.constant 0 : i32
      %swap3A_172 = arith.index_cast %swap3A_170 : i32 to index
      %swap3A_173 = arith.index_cast %swap3A_171 : i32 to index
      %swap3A_174 = arith.constant 64 : index
      %swap3A_175 = tpu.vector_load %arg6[%swap3A_172, %swap3A_173, %swap3A_174] {strides = array<i32>} : memref<2x4x128xi32, #tpu.memory_space<vmem>>, vector<1x1x16xi32>,
      %swap3A_176 = vector.shape_cast %swap3A_175 : vector<1x1x16xi32> to vector<16xi32>
      %swap3A_177 = vector.shape_cast %min3A_169 : vector<16xi32> to vector<1x1x16xi32>
      tpu.vector_store %arg6[%swap3A_172, %swap3A_173, %swap3A_174], %swap3A_177 {strides = array<i32>} : memref<2x4x128xi32, #tpu.memory_space<vmem>>, vector<1x1x16xi32>,
      %get3A_178 = arith.constant 0 : i32
      %get3A_179 = arith.constant 0 : i32
      %get3A_180 = arith.index_cast %get3A_178 : i32 to index
      %get3A_181 = arith.index_cast %get3A_179 : i32 to index
      %get3A_182 = arith.constant 80 : index
      %get3A_183 = tpu.vector_load %arg6[%get3A_180, %get3A_181, %get3A_182] {strides = array<i32>} : memref<2x4x128xi32, #tpu.memory_space<vmem>>, vector<1x1x16xi32>,
      %get3A_184 = vector.shape_cast %get3A_183 : vector<1x1x16xi32> to vector<16xi32>
      %max3A_185 = arith.constant 0 : i32
      %max3A_186 = vector.broadcast %max3A_185 : i32 to vector<16xi32>
      %max3A_187 = arith.maxsi %get3A_184, %max3A_186 : vector<16xi32>
      %min3A_188 = arith.constant 69 : i32
      %min3A_189 = vector.broadcast %min3A_188 : i32 to vector<16xi32>
      %min3A_190 = arith.minsi %max3A_187, %min3A_189 : vector<16xi32>
      %swap3A_191 = arith.constant 0 : i32
      %swap3A_192 = arith.constant 0 : i32
      %swap3A_193 = arith.index_cast %swap3A_191 : i32 to index
      %swap3A_194 = arith.index_cast %swap3A_192 : i32 to index
      %swap3A_195 = arith.constant 80 : index
      %swap3A_196 = tpu.vector_load %arg6[%swap3A_193, %swap3A_194, %swap3A_195] {strides = array<i32>} : memref<2x4x128xi32, #tpu.memory_space<vmem>>, vector<1x1x16xi32>,
      %swap3A_197 = vector.shape_cast %swap3A_196 : vector<1x1x16xi32> to vector<16xi32>
      %swap3A_198 = vector.shape_cast %min3A_190 : vector<16xi32> to vector<1x1x16xi32>
      tpu.vector_store %arg6[%swap3A_193, %swap3A_194, %swap3A_195], %swap3A_198 {strides = array<i32>} : memref<2x4x128xi32, #tpu.memory_space<vmem>>, vector<1x1x16xi32>,
      %get3A_199 = arith.constant 0 : i32
      %get3A_200 = arith.constant 0 : i32
      %get3A_201 = arith.index_cast %get3A_199 : i32 to index
      %get3A_202 = arith.index_cast %get3A_200 : i32 to index
      %get3A_203 = arith.constant 96 : index
      %get3A_204 = tpu.vector_load %arg6[%get3A_201, %get3A_202, %get3A_203] {strides = array<i32>} : memref<2x4x128xi32, #tpu.memory_space<vmem>>, vector<1x1x16xi32>,
      %get3A_205 = vector.shape_cast %get3A_204 : vector<1x1x16xi32> to vector<16xi32>
      %max3A_206 = arith.constant 0 : i32
      %max3A_207 = vector.broadcast %max3A_206 : i32 to vector<16xi32>
      %max3A_208 = arith.maxsi %get3A_205, %max3A_207 : vector<16xi32>
      %min3A_209 = arith.constant 69 : i32
      %min3A_210 = vector.broadcast %min3A_209 : i32 to vector<16xi32>
      %min3A_211 = arith.minsi %max3A_208, %min3A_210 : vector<16xi32>
      %swap3A_212 = arith.constant 0 : i32
      %swap3A_213 = arith.constant 0 : i32
      %swap3A_214 = arith.index_cast %swap3A_212 : i32 to index
      %swap3A_215 = arith.index_cast %swap3A_213 : i32 to index
      %swap3A_216 = arith.constant 96 : index
      %swap3A_217 = tpu.vector_load %arg6[%swap3A_214, %swap3A_215, %swap3A_216] {strides = array<i32>} : memref<2x4x128xi32, #tpu.memory_space<vmem>>, vector<1x1x16xi32>,
      %swap3A_218 = vector.shape_cast %swap3A_217 : vector<1x1x16xi32> to vector<16xi32>
      %swap3A_219 = vector.shape_cast %min3A_211 : vector<16xi32> to vector<1x1x16xi32>
      tpu.vector_store %arg6[%swap3A_214, %swap3A_215, %swap3A_216], %swap3A_219 {strides = array<i32>} : memref<2x4x128xi32, #tpu.memory_space<vmem>>, vector<1x1x16xi32>,
      %get3A_220 = arith.constant 0 : i32
      %get3A_221 = arith.constant 0 : i32
      %get3A_222 = arith.index_cast %get3A_220 : i32 to index
      %get3A_223 = arith.index_cast %get3A_221 : i32 to index
      %get3A_224 = arith.constant 112 : index
      %get3A_225 = tpu.vector_load %arg6[%get3A_222, %get3A_223, %get3A_224] {strides = array<i32>} : memref<2x4x128xi32, #tpu.memory_space<vmem>>, vector<1x1x16xi32>,
      %get3A_226 = vector.shape_cast %get3A_225 : vector<1x1x16xi32> to vector<16xi32>
      %max3A_227 = arith.constant 0 : i32
      %max3A_228 = vector.broadcast %max3A_227 : i32 to vector<16xi32>
      %max3A_229 = arith.maxsi %get3A_226, %max3A_228 : vector<16xi32>
      %min3A_230 = arith.constant 69 : i32
      %min3A_231 = vector.broadcast %min3A_230 : i32 to vector<16xi32>
      %min3A_232 = arith.minsi %max3A_229, %min3A_231 : vector<16xi32>
      %swap3A_233 = arith.constant 0 : i32
      %swap3A_234 = arith.constant 0 : i32
      %swap3A_235 = arith.index_cast %swap3A_233 : i32 to index
      %swap3A_236 = arith.index_cast %swap3A_234 : i32 to index
      %swap3A_237 = arith.constant 112 : index
      %swap3A_238 = tpu.vector_load %arg6[%swap3A_235, %swap3A_236, %swap3A_237] {strides = array<i32>} : memref<2x4x128xi32, #tpu.memory_space<vmem>>, vector<1x1x16xi32>,
      %swap3A_239 = vector.shape_cast %swap3A_238 : vector<1x1x16xi32> to vector<16xi32>
      %swap3A_240 = vector.shape_cast %min3A_232 : vector<16xi32> to vector<1x1x16xi32>
      tpu.vector_store %arg6[%swap3A_235, %swap3A_236, %swap3A_237], %swap3A_240 {strides = array<i32>} : memref<2x4x128xi32, #tpu.memory_space<vmem>>, vector<1x1x16xi32>,
      %get3A_241 = arith.constant 0 : i32
      %get3A_242 = arith.constant 1 : i32
      %get3A_243 = arith.index_cast %get3A_241 : i32 to index
      %get3A_244 = arith.index_cast %get3A_242 : i32 to index
      %get3A_245 = arith.constant 0 : index
      %get3A_246 = tpu.vector_load %arg6[%get3A_243, %get3A_244, %get3A_245] {strides = array<i32>} : memref<2x4x128xi32, #tpu.memory_space<vmem>>, vector<1x1x16xi32>,
      %get3A_247 = vector.shape_cast %get3A_246 : vector<1x1x16xi32> to vector<16xi32>
      %max3A_248 = arith.constant 0 : i32
      %max3A_249 = vector.broadcast %max3A_248 : i32 to vector<16xi32>
      %max3A_250 = arith.maxsi %get3A_247, %max3A_249 : vector<16xi32>
      %min3A_251 = arith.constant 69 : i32
      %min3A_252 = vector.broadcast %min3A_251 : i32 to vector<16xi32>
      %min3A_253 = arith.minsi %max3A_250, %min3A_252 : vector<16xi32>
      %swap3A_254 = arith.constant 0 : i32
      %swap3A_255 = arith.constant 1 : i32
      %swap3A_256 = arith.index_cast %swap3A_254 : i32 to index
      %swap3A_257 = arith.index_cast %swap3A_255 : i32 to index
      %swap3A_258 = arith.constant 0 : index
      %swap3A_259 = tpu.vector_load %arg6[%swap3A_256, %swap3A_257, %swap3A_258] {strides = array<i32>} : memref<2x4x128xi32, #tpu.memory_space<vmem>>, vector<1x1x16xi32>,
      %swap3A_260 = vector.shape_cast %swap3A_259 : vector<1x1x16xi32> to vector<16xi32>
      %swap3A_261 = vector.shape_cast %min3A_253 : vector<16xi32> to vector<1x1x16xi32>
      tpu.vector_store %arg6[%swap3A_256, %swap3A_257, %swap3A_258], %swap3A_261 {strides = array<i32>} : memref<2x4x128xi32, #tpu.memory_space<vmem>>, vector<1x1x16xi32>,
      %get3A_262 = arith.constant 0 : i32
      %get3A_263 = arith.constant 1 : i32
      %get3A_264 = arith.index_cast %get3A_262 : i32 to index
      %get3A_265 = arith.index_cast %get3A_263 : i32 to index
      %get3A_266 = arith.constant 16 : index
      %get3A_267 = tpu.vector_load %arg6[%get3A_264, %get3A_265, %get3A_266] {strides = array<i32>} : memref<2x4x128xi32, #tpu.memory_space<vmem>>, vector<1x1x16xi32>,
      %get3A_268 = vector.shape_cast %get3A_267 : vector<1x1x16xi32> to vector<16xi32>
      %max3A_269 = arith.constant 0 : i32
      %max3A_270 = vector.broadcast %max3A_269 : i32 to vector<16xi32>
      %max3A_271 = arith.maxsi %get3A_268, %max3A_270 : vector<16xi32>
      %min3A_272 = arith.constant 69 : i32
      %min3A_273 = vector.broadcast %min3A_272 : i32 to vector<16xi32>
      %min3A_274 = arith.minsi %max3A_271, %min3A_273 : vector<16xi32>
      %swap3A_275 = arith.constant 0 : i32
      %swap3A_276 = arith.constant 1 : i32
      %swap3A_277 = arith.index_cast %swap3A_275 : i32 to index
      %swap3A_278 = arith.index_cast %swap3A_276 : i32 to index
      %swap3A_279 = arith.constant 16 : index
      %swap3A_280 = tpu.vector_load %arg6[%swap3A_277, %swap3A_278, %swap3A_279] {strides = array<i32>} : memref<2x4x128xi32, #tpu.memory_space<vmem>>, vector<1x1x16xi32>,
      %swap3A_281 = vector.shape_cast %swap3A_280 : vector<1x1x16xi32> to vector<16xi32>
      %swap3A_282 = vector.shape_cast %min3A_274 : vector<16xi32> to vector<1x1x16xi32>
      tpu.vector_store %arg6[%swap3A_277, %swap3A_278, %swap3A_279], %swap3A_282 {strides = array<i32>} : memref<2x4x128xi32, #tpu.memory_space<vmem>>, vector<1x1x16xi32>,
      %get3A_283 = arith.constant 0 : i32
      %get3A_284 = arith.constant 1 : i32
      %get3A_285 = arith.index_cast %get3A_283 : i32 to index
      %get3A_286 = arith.index_cast %get3A_284 : i32 to index
      %get3A_287 = arith.constant 32 : index
      %get3A_288 = tpu.vector_load %arg6[%get3A_285, %get3A_286, %get3A_287] {strides = array<i32>} : memref<2x4x128xi32, #tpu.memory_space<vmem>>, vector<1x1x16xi32>,
      %get3A_289 = vector.shape_cast %get3A_288 : vector<1x1x16xi32> to vector<16xi32>
      %max3A_290 = arith.constant 0 : i32
      %max3A_291 = vector.broadcast %max3A_290 : i32 to vector<16xi32>
      %max3A_292 = arith.maxsi %get3A_289, %max3A_291 : vector<16xi32>
      %min3A_293 = arith.constant 69 : i32
      %min3A_294 = vector.broadcast %min3A_293 : i32 to vector<16xi32>
      %min3A_295 = arith.minsi %max3A_292, %min3A_294 : vector<16xi32>
      %swap3A_296 = arith.constant 0 : i32
      %swap3A_297 = arith.constant 1 : i32
      %swap3A_298 = arith.index_cast %swap3A_296 : i32 to index
      %swap3A_299 = arith.index_cast %swap3A_297 : i32 to index
      %swap3A_300 = arith.constant 32 : index
      %swap3A_301 = tpu.vector_load %arg6[%swap3A_298, %swap3A_299, %swap3A_300] {strides = array<i32>} : memref<2x4x128xi32, #tpu.memory_space<vmem>>, vector<1x1x16xi32>,
      %swap3A_302 = vector.shape_cast %swap3A_301 : vector<1x1x16xi32> to vector<16xi32>
      %swap3A_303 = vector.shape_cast %min3A_295 : vector<16xi32> to vector<1x1x16xi32>
      tpu.vector_store %arg6[%swap3A_298, %swap3A_299, %swap3A_300], %swap3A_303 {strides = array<i32>} : memref<2x4x128xi32, #tpu.memory_space<vmem>>, vector<1x1x16xi32>,
      %get3A_304 = arith.constant 0 : i32
      %get3A_305 = arith.constant 1 : i32
      %get3A_306 = arith.index_cast %get3A_304 : i32 to index
      %get3A_307 = arith.index_cast %get3A_305 : i32 to index
      %get3A_308 = arith.constant 48 : index
      %get3A_309 = tpu.vector_load %arg6[%get3A_306, %get3A_307, %get3A_308] {strides = array<i32>} : memref<2x4x128xi32, #tpu.memory_space<vmem>>, vector<1x1x16xi32>,
      %get3A_310 = vector.shape_cast %get3A_309 : vector<1x1x16xi32> to vector<16xi32>
      %max3A_311 = arith.constant 0 : i32
      %max3A_312 = vector.broadcast %max3A_311 : i32 to vector<16xi32>
      %max3A_313 = arith.maxsi %get3A_310, %max3A_312 : vector<16xi32>
      %min3A_314 = arith.constant 69 : i32
      %min3A_315 = vector.broadcast %min3A_314 : i32 to vector<16xi32>
      %min3A_316 = arith.minsi %max3A_313, %min3A_315 : vector<16xi32>
      %swap3A_317 = arith.constant 0 : i32
      %swap3A_318 = arith.constant 1 : i32
      %swap3A_319 = arith.index_cast %swap3A_317 : i32 to index
      %swap3A_320 = arith.index_cast %swap3A_318 : i32 to index
      %swap3A_321 = arith.constant 48 : index
      %swap3A_322 = tpu.vector_load %arg6[%swap3A_319, %swap3A_320, %swap3A_321] {strides = array<i32>} : memref<2x4x128xi32, #tpu.memory_space<vmem>>, vector<1x1x16xi32>,
      %swap3A_323 = vector.shape_cast %swap3A_322 : vector<1x1x16xi32> to vector<16xi32>
      %swap3A_324 = vector.shape_cast %min3A_316 : vector<16xi32> to vector<1x1x16xi32>
      tpu.vector_store %arg6[%swap3A_319, %swap3A_320, %swap3A_321], %swap3A_324 {strides = array<i32>} : memref<2x4x128xi32, #tpu.memory_space<vmem>>, vector<1x1x16xi32>,
      %get3A_325 = arith.constant 0 : i32
      %get3A_326 = arith.constant 1 : i32
      %get3A_327 = arith.index_cast %get3A_325 : i32 to index
      %get3A_328 = arith.index_cast %get3A_326 : i32 to index
      %get3A_329 = arith.constant 64 : index
      %get3A_330 = tpu.vector_load %arg6[%get3A_327, %get3A_328, %get3A_329] {strides = array<i32>} : memref<2x4x128xi32, #tpu.memory_space<vmem>>, vector<1x1x16xi32>,
      %get3A_331 = vector.shape_cast %get3A_330 : vector<1x1x16xi32> to vector<16xi32>
      %max3A_332 = arith.constant 0 : i32
      %max3A_333 = vector.broadcast %max3A_332 : i32 to vector<16xi32>
      %max3A_334 = arith.maxsi %get3A_331, %max3A_333 : vector<16xi32>
      %min3A_335 = arith.constant 69 : i32
      %min3A_336 = vector.broadcast %min3A_335 : i32 to vector<16xi32>
      %min3A_337 = arith.minsi %max3A_334, %min3A_336 : vector<16xi32>
      %swap3A_338 = arith.constant 0 : i32
      %swap3A_339 = arith.constant 1 : i32
      %swap3A_340 = arith.index_cast %swap3A_338 : i32 to index
      %swap3A_341 = arith.index_cast %swap3A_339 : i32 to index
      %swap3A_342 = arith.constant 64 : index
      %swap3A_343 = tpu.vector_load %arg6[%swap3A_340, %swap3A_341, %swap3A_342] {strides = array<i32>} : memref<2x4x128xi32, #tpu.memory_space<vmem>>, vector<1x1x16xi32>,
      %swap3A_344 = vector.shape_cast %swap3A_343 : vector<1x1x16xi32> to vector<16xi32>
      %swap3A_345 = vector.shape_cast %min3A_337 : vector<16xi32> to vector<1x1x16xi32>
      tpu.vector_store %arg6[%swap3A_340, %swap3A_341, %swap3A_342], %swap3A_345 {strides = array<i32>} : memref<2x4x128xi32, #tpu.memory_space<vmem>>, vector<1x1x16xi32>,
      %get3A_346 = arith.constant 0 : i32
      %get3A_347 = arith.constant 1 : i32
      %get3A_348 = arith.index_cast %get3A_346 : i32 to index
      %get3A_349 = arith.index_cast %get3A_347 : i32 to index
      %get3A_350 = arith.constant 80 : index
      %get3A_351 = tpu.vector_load %arg6[%get3A_348, %get3A_349, %get3A_350] {strides = array<i32>} : memref<2x4x128xi32, #tpu.memory_space<vmem>>, vector<1x1x16xi32>,
      %get3A_352 = vector.shape_cast %get3A_351 : vector<1x1x16xi32> to vector<16xi32>
      %max3A_353 = arith.constant 0 : i32
      %max3A_354 = vector.broadcast %max3A_353 : i32 to vector<16xi32>
      %max3A_355 = arith.maxsi %get3A_352, %max3A_354 : vector<16xi32>
      %min3A_356 = arith.constant 69 : i32
      %min3A_357 = vector.broadcast %min3A_356 : i32 to vector<16xi32>
      %min3A_358 = arith.minsi %max3A_355, %min3A_357 : vector<16xi32>
      %swap3A_359 = arith.constant 0 : i32
      %swap3A_360 = arith.constant 1 : i32
      %swap3A_361 = arith.index_cast %swap3A_359 : i32 to index
      %swap3A_362 = arith.index_cast %swap3A_360 : i32 to index
      %swap3A_363 = arith.constant 80 : index
      %swap3A_364 = tpu.vector_load %arg6[%swap3A_361, %swap3A_362, %swap3A_363] {strides = array<i32>} : memref<2x4x128xi32, #tpu.memory_space<vmem>>, vector<1x1x16xi32>,
      %swap3A_365 = vector.shape_cast %swap3A_364 : vector<1x1x16xi32> to vector<16xi32>
      %swap3A_366 = vector.shape_cast %min3A_358 : vector<16xi32> to vector<1x1x16xi32>
      tpu.vector_store %arg6[%swap3A_361, %swap3A_362, %swap3A_363], %swap3A_366 {strides = array<i32>} : memref<2x4x128xi32, #tpu.memory_space<vmem>>, vector<1x1x16xi32>,
      %get3A_367 = arith.constant 0 : i32
      %get3A_368 = arith.constant 1 : i32
      %get3A_369 = arith.index_cast %get3A_367 : i32 to index
      %get3A_370 = arith.index_cast %get3A_368 : i32 to index
      %get3A_371 = arith.constant 96 : index
      %get3A_372 = tpu.vector_load %arg6[%get3A_369, %get3A_370, %get3A_371] {strides = array<i32>} : memref<2x4x128xi32, #tpu.memory_space<vmem>>, vector<1x1x16xi32>,
      %get3A_373 = vector.shape_cast %get3A_372 : vector<1x1x16xi32> to vector<16xi32>
      %max3A_374 = arith.constant 0 : i32
      %max3A_375 = vector.broadcast %max3A_374 : i32 to vector<16xi32>
      %max3A_376 = arith.maxsi %get3A_373, %max3A_375 : vector<16xi32>
      %min3A_377 = arith.constant 69 : i32
      %min3A_378 = vector.broadcast %min3A_377 : i32 to vector<16xi32>
      %min3A_379 = arith.minsi %max3A_376, %min3A_378 : vector<16xi32>
      %swap3A_380 = arith.constant 0 : i32
      %swap3A_381 = arith.constant 1 : i32
      %swap3A_382 = arith.index_cast %swap3A_380 : i32 to index
      %swap3A_383 = arith.index_cast %swap3A_381 : i32 to index
      %swap3A_384 = arith.constant 96 : index
      %swap3A_385 = tpu.vector_load %arg6[%swap3A_382, %swap3A_383, %swap3A_384] {strides = array<i32>} : memref<2x4x128xi32, #tpu.memory_space<vmem>>, vector<1x1x16xi32>,
      %swap3A_386 = vector.shape_cast %swap3A_385 : vector<1x1x16xi32> to vector<16xi32>
      %swap3A_387 = vector.shape_cast %min3A_379 : vector<16xi32> to vector<1x1x16xi32>
      tpu.vector_store %arg6[%swap3A_382, %swap3A_383, %swap3A_384], %swap3A_387 {strides = array<i32>} : memref<2x4x128xi32, #tpu.memory_space<vmem>>, vector<1x1x16xi32>,
      %get3A_388 = arith.constant 0 : i32
      %get3A_389 = arith.constant 1 : i32
      %get3A_390 = arith.index_cast %get3A_388 : i32 to index
      %get3A_391 = arith.index_cast %get3A_389 : i32 to index
      %get3A_392 = arith.constant 112 : index
      %get3A_393 = tpu.vector_load %arg6[%get3A_390, %get3A_391, %get3A_392] {strides = array<i32>} : memref<2x4x128xi32, #tpu.memory_space<vmem>>, vector<1x1x16xi32>,
      %get3A_394 = vector.shape_cast %get3A_393 : vector<1x1x16xi32> to vector<16xi32>
      %max3A_395 = arith.constant 0 : i32
      %max3A_396 = vector.broadcast %max3A_395 : i32 to vector<16xi32>
      %max3A_397 = arith.maxsi %get3A_394, %max3A_396 : vector<16xi32>
      %min3A_398 = arith.constant 69 : i32
      %min3A_399 = vector.broadcast %min3A_398 : i32 to vector<16xi32>
      %min3A_400 = arith.minsi %max3A_397, %min3A_399 : vector<16xi32>
      %swap3A_401 = arith.constant 0 : i32
      %swap3A_402 = arith.constant 1 : i32
      %swap3A_403 = arith.index_cast %swap3A_401 : i32 to index
      %swap3A_404 = arith.index_cast %swap3A_402 : i32 to index
      %swap3A_405 = arith.constant 112 : index
      %swap3A_406 = tpu.vector_load %arg6[%swap3A_403, %swap3A_404, %swap3A_405] {strides = array<i32>} : memref<2x4x128xi32, #tpu.memory_space<vmem>>, vector<1x1x16xi32>,
      %swap3A_407 = vector.shape_cast %swap3A_406 : vector<1x1x16xi32> to vector<16xi32>
      %swap3A_408 = vector.shape_cast %min3A_400 : vector<16xi32> to vector<1x1x16xi32>
      tpu.vector_store %arg6[%swap3A_403, %swap3A_404, %swap3A_405], %swap3A_408 {strides = array<i32>} : memref<2x4x128xi32, #tpu.memory_space<vmem>>, vector<1x1x16xi32>,
      %get3A_409 = arith.constant 0 : i32
      %get3A_410 = arith.constant 2 : i32
      %get3A_411 = arith.index_cast %get3A_409 : i32 to index
      %get3A_412 = arith.index_cast %get3A_410 : i32 to index
      %get3A_413 = arith.constant 0 : index
      %get3A_414 = tpu.vector_load %arg6[%get3A_411, %get3A_412, %get3A_413] {strides = array<i32>} : memref<2x4x128xi32, #tpu.memory_space<vmem>>, vector<1x1x16xi32>,
      %get3A_415 = vector.shape_cast %get3A_414 : vector<1x1x16xi32> to vector<16xi32>
      %max3A_416 = arith.constant 0 : i32
      %max3A_417 = vector.broadcast %max3A_416 : i32 to vector<16xi32>
      %max3A_418 = arith.maxsi %get3A_415, %max3A_417 : vector<16xi32>
      %min3A_419 = arith.constant 69 : i32
      %min3A_420 = vector.broadcast %min3A_419 : i32 to vector<16xi32>
      %min3A_421 = arith.minsi %max3A_418, %min3A_420 : vector<16xi32>
      %swap3A_422 = arith.constant 0 : i32
      %swap3A_423 = arith.constant 2 : i32
      %swap3A_424 = arith.index_cast %swap3A_422 : i32 to index
      %swap3A_425 = arith.index_cast %swap3A_423 : i32 to index
      %swap3A_426 = arith.constant 0 : index
      %swap3A_427 = tpu.vector_load %arg6[%swap3A_424, %swap3A_425, %swap3A_426] {strides = array<i32>} : memref<2x4x128xi32, #tpu.memory_space<vmem>>, vector<1x1x16xi32>,
      %swap3A_428 = vector.shape_cast %swap3A_427 : vector<1x1x16xi32> to vector<16xi32>
      %swap3A_429 = vector.shape_cast %min3A_421 : vector<16xi32> to vector<1x1x16xi32>
      tpu.vector_store %arg6[%swap3A_424, %swap3A_425, %swap3A_426], %swap3A_429 {strides = array<i32>} : memref<2x4x128xi32, #tpu.memory_space<vmem>>, vector<1x1x16xi32>,
      %get3A_430 = arith.constant 0 : i32
      %get3A_431 = arith.constant 2 : i32
      %get3A_432 = arith.index_cast %get3A_430 : i32 to index
      %get3A_433 = arith.index_cast %get3A_431 : i32 to index
      %get3A_434 = arith.constant 16 : index
      %get3A_435 = tpu.vector_load %arg6[%get3A_432, %get3A_433, %get3A_434] {strides = array<i32>} : memref<2x4x128xi32, #tpu.memory_space<vmem>>, vector<1x1x16xi32>,
      %get3A_436 = vector.shape_cast %get3A_435 : vector<1x1x16xi32> to vector<16xi32>
      %max3A_437 = arith.constant 0 : i32
      %max3A_438 = vector.broadcast %max3A_437 : i32 to vector<16xi32>
      %max3A_439 = arith.maxsi %get3A_436, %max3A_438 : vector<16xi32>
      %min3A_440 = arith.constant 69 : i32
      %min3A_441 = vector.broadcast %min3A_440 : i32 to vector<16xi32>
      %min3A_442 = arith.minsi %max3A_439, %min3A_441 : vector<16xi32>
      %swap3A_443 = arith.constant 0 : i32
      %swap3A_444 = arith.constant 2 : i32
      %swap3A_445 = arith.index_cast %swap3A_443 : i32 to index
      %swap3A_446 = arith.index_cast %swap3A_444 : i32 to index
      %swap3A_447 = arith.constant 16 : index
      %swap3A_448 = tpu.vector_load %arg6[%swap3A_445, %swap3A_446, %swap3A_447] {strides = array<i32>} : memref<2x4x128xi32, #tpu.memory_space<vmem>>, vector<1x1x16xi32>,
      %swap3A_449 = vector.shape_cast %swap3A_448 : vector<1x1x16xi32> to vector<16xi32>
      %swap3A_450 = vector.shape_cast %min3A_442 : vector<16xi32> to vector<1x1x16xi32>
      tpu.vector_store %arg6[%swap3A_445, %swap3A_446, %swap3A_447], %swap3A_450 {strides = array<i32>} : memref<2x4x128xi32, #tpu.memory_space<vmem>>, vector<1x1x16xi32>,
      %get3A_451 = arith.constant 0 : i32
      %get3A_452 = arith.constant 2 : i32
      %get3A_453 = arith.index_cast %get3A_451 : i32 to index
      %get3A_454 = arith.index_cast %get3A_452 : i32 to index
      %get3A_455 = arith.constant 32 : index
      %get3A_456 = tpu.vector_load %arg6[%get3A_453, %get3A_454, %get3A_455] {strides = array<i32>} : memref<2x4x128xi32, #tpu.memory_space<vmem>>, vector<1x1x16xi32>,
      %get3A_457 = vector.shape_cast %get3A_456 : vector<1x1x16xi32> to vector<16xi32>
      %max3A_458 = arith.constant 0 : i32
      %max3A_459 = vector.broadcast %max3A_458 : i32 to vector<16xi32>
      %max3A_460 = arith.maxsi %get3A_457, %max3A_459 : vector<16xi32>
      %min3A_461 = arith.constant 69 : i32
      %min3A_462 = vector.broadcast %min3A_461 : i32 to vector<16xi32>
      %min3A_463 = arith.minsi %max3A_460, %min3A_462 : vector<16xi32>
      %swap3A_464 = arith.constant 0 : i32
      %swap3A_465 = arith.constant 2 : i32
      %swap3A_466 = arith.index_cast %swap3A_464 : i32 to index
      %swap3A_467 = arith.index_cast %swap3A_465 : i32 to index
      %swap3A_468 = arith.constant 32 : index
      %swap3A_469 = tpu.vector_load %arg6[%swap3A_466, %swap3A_467, %swap3A_468] {strides = array<i32>} : memref<2x4x128xi32, #tpu.memory_space<vmem>>, vector<1x1x16xi32>,
      %swap3A_470 = vector.shape_cast %swap3A_469 : vector<1x1x16xi32> to vector<16xi32>
      %swap3A_471 = vector.shape_cast %min3A_463 : vector<16xi32> to vector<1x1x16xi32>
      tpu.vector_store %arg6[%swap3A_466, %swap3A_467, %swap3A_468], %swap3A_471 {strides = array<i32>} : memref<2x4x128xi32, #tpu.memory_space<vmem>>, vector<1x1x16xi32>,
      %get3A_472 = arith.constant 0 : i32
      %get3A_473 = arith.constant 2 : i32
      %get3A_474 = arith.index_cast %get3A_472 : i32 to index
      %get3A_475 = arith.index_cast %get3A_473 : i32 to index
      %get3A_476 = arith.constant 48 : index
      %get3A_477 = tpu.vector_load %arg6[%get3A_474, %get3A_475, %get3A_476] {strides = array<i32>} : memref<2x4x128xi32, #tpu.memory_space<vmem>>, vector<1x1x16xi32>,
      %get3A_478 = vector.shape_cast %get3A_477 : vector<1x1x16xi32> to vector<16xi32>
      %max3A_479 = arith.constant 0 : i32
      %max3A_480 = vector.broadcast %max3A_479 : i32 to vector<16xi32>
      %max3A_481 = arith.maxsi %get3A_478, %max3A_480 : vector<16xi32>
      %min3A_482 = arith.constant 69 : i32
      %min3A_483 = vector.broadcast %min3A_482 : i32 to vector<16xi32>
      %min3A_484 = arith.minsi %max3A_481, %min3A_483 : vector<16xi32>
      %swap3A_485 = arith.constant 0 : i32
      %swap3A_486 = arith.constant 2 : i32
      %swap3A_487 = arith.index_cast %swap3A_485 : i32 to index
      %swap3A_488 = arith.index_cast %swap3A_486 : i32 to index
      %swap3A_489 = arith.constant 48 : index
      %swap3A_490 = tpu.vector_load %arg6[%swap3A_487, %swap3A_488, %swap3A_489] {strides = array<i32>} : memref<2x4x128xi32, #tpu.memory_space<vmem>>, vector<1x1x16xi32>,
      %swap3A_491 = vector.shape_cast %swap3A_490 : vector<1x1x16xi32> to vector<16xi32>
      %swap3A_492 = vector.shape_cast %min3A_484 : vector<16xi32> to vector<1x1x16xi32>
      tpu.vector_store %arg6[%swap3A_487, %swap3A_488, %swap3A_489], %swap3A_492 {strides = array<i32>} : memref<2x4x128xi32, #tpu.memory_space<vmem>>, vector<1x1x16xi32>,
      %get3A_493 = arith.constant 0 : i32
      %get3A_494 = arith.constant 2 : i32
      %get3A_495 = arith.index_cast %get3A_493 : i32 to index
      %get3A_496 = arith.index_cast %get3A_494 : i32 to index
      %get3A_497 = arith.constant 64 : index
      %get3A_498 = tpu.vector_load %arg6[%get3A_495, %get3A_496, %get3A_497] {strides = array<i32>} : memref<2x4x128xi32, #tpu.memory_space<vmem>>, vector<1x1x16xi32>,
      %get3A_499 = vector.shape_cast %get3A_498 : vector<1x1x16xi32> to vector<16xi32>
      %max3A_500 = arith.constant 0 : i32
      %max3A_501 = vector.broadcast %max3A_500 : i32 to vector<16xi32>
      %max3A_502 = arith.maxsi %get3A_499, %max3A_501 : vector<16xi32>
      %min3A_503 = arith.constant 69 : i32
      %min3A_504 = vector.broadcast %min3A_503 : i32 to vector<16xi32>
      %min3A_505 = arith.minsi %max3A_502, %min3A_504 : vector<16xi32>
      %swap3A_506 = arith.constant 0 : i32
      %swap3A_507 = arith.constant 2 : i32
      %swap3A_508 = arith.index_cast %swap3A_506 : i32 to index
      %swap3A_509 = arith.index_cast %swap3A_507 : i32 to index
      %swap3A_510 = arith.constant 64 : index
      %swap3A_511 = tpu.vector_load %arg6[%swap3A_508, %swap3A_509, %swap3A_510] {strides = array<i32>} : memref<2x4x128xi32, #tpu.memory_space<vmem>>, vector<1x1x16xi32>,
      %swap3A_512 = vector.shape_cast %swap3A_511 : vector<1x1x16xi32> to vector<16xi32>
      %swap3A_513 = vector.shape_cast %min3A_505 : vector<16xi32> to vector<1x1x16xi32>
      tpu.vector_store %arg6[%swap3A_508, %swap3A_509, %swap3A_510], %swap3A_513 {strides = array<i32>} : memref<2x4x128xi32, #tpu.memory_space<vmem>>, vector<1x1x16xi32>,
      %get3A_514 = arith.constant 0 : i32
      %get3A_515 = arith.constant 2 : i32
      %get3A_516 = arith.index_cast %get3A_514 : i32 to index
      %get3A_517 = arith.index_cast %get3A_515 : i32 to index
      %get3A_518 = arith.constant 80 : index
      %get3A_519 = tpu.vector_load %arg6[%get3A_516, %get3A_517, %get3A_518] {strides = array<i32>} : memref<2x4x128xi32, #tpu.memory_space<vmem>>, vector<1x1x16xi32>,
      %get3A_520 = vector.shape_cast %get3A_519 : vector<1x1x16xi32> to vector<16xi32>
      %max3A_521 = arith.constant 0 : i32
      %max3A_522 = vector.broadcast %max3A_521 : i32 to vector<16xi32>
      %max3A_523 = arith.maxsi %get3A_520, %max3A_522 : vector<16xi32>
      %min3A_524 = arith.constant 69 : i32
      %min3A_525 = vector.broadcast %min3A_524 : i32 to vector<16xi32>
      %min3A_526 = arith.minsi %max3A_523, %min3A_525 : vector<16xi32>
      %swap3A_527 = arith.constant 0 : i32
      %swap3A_528 = arith.constant 2 : i32
      %swap3A_529 = arith.index_cast %swap3A_527 : i32 to index
      %swap3A_530 = arith.index_cast %swap3A_528 : i32 to index
      %swap3A_531 = arith.constant 80 : index
      %swap3A_532 = tpu.vector_load %arg6[%swap3A_529, %swap3A_530, %swap3A_531] {strides = array<i32>} : memref<2x4x128xi32, #tpu.memory_space<vmem>>, vector<1x1x16xi32>,
      %swap3A_533 = vector.shape_cast %swap3A_532 : vector<1x1x16xi32> to vector<16xi32>
      %swap3A_534 = vector.shape_cast %min3A_526 : vector<16xi32> to vector<1x1x16xi32>
      tpu.vector_store %arg6[%swap3A_529, %swap3A_530, %swap3A_531], %swap3A_534 {strides = array<i32>} : memref<2x4x128xi32, #tpu.memory_space<vmem>>, vector<1x1x16xi32>,
      %get3A_535 = arith.constant 0 : i32
      %get3A_536 = arith.constant 2 : i32
      %get3A_537 = arith.index_cast %get3A_535 : i32 to index
      %get3A_538 = arith.index_cast %get3A_536 : i32 to index
      %get3A_539 = arith.constant 96 : index
      %get3A_540 = tpu.vector_load %arg6[%get3A_537, %get3A_538, %get3A_539] {strides = array<i32>} : memref<2x4x128xi32, #tpu.memory_space<vmem>>, vector<1x1x16xi32>,
      %get3A_541 = vector.shape_cast %get3A_540 : vector<1x1x16xi32> to vector<16xi32>
      %max3A_542 = arith.constant 0 : i32
      %max3A_543 = vector.broadcast %max3A_542 : i32 to vector<16xi32>
      %max3A_544 = arith.maxsi %get3A_541, %max3A_543 : vector<16xi32>
      %min3A_545 = arith.constant 69 : i32
      %min3A_546 = vector.broadcast %min3A_545 : i32 to vector<16xi32>
      %min3A_547 = arith.minsi %max3A_544, %min3A_546 : vector<16xi32>
      %swap3A_548 = arith.constant 0 : i32
      %swap3A_549 = arith.constant 2 : i32
      %swap3A_550 = arith.index_cast %swap3A_548 : i32 to index
      %swap3A_551 = arith.index_cast %swap3A_549 : i32 to index
      %swap3A_552 = arith.constant 96 : index
      %swap3A_553 = tpu.vector_load %arg6[%swap3A_550, %swap3A_551, %swap3A_552] {strides = array<i32>} : memref<2x4x128xi32, #tpu.memory_space<vmem>>, vector<1x1x16xi32>,
      %swap3A_554 = vector.shape_cast %swap3A_553 : vector<1x1x16xi32> to vector<16xi32>
      %swap3A_555 = vector.shape_cast %min3A_547 : vector<16xi32> to vector<1x1x16xi32>
      tpu.vector_store %arg6[%swap3A_550, %swap3A_551, %swap3A_552], %swap3A_555 {strides = array<i32>} : memref<2x4x128xi32, #tpu.memory_space<vmem>>, vector<1x1x16xi32>,
      %get3A_556 = arith.constant 0 : i32
      %get3A_557 = arith.constant 2 : i32
      %get3A_558 = arith.index_cast %get3A_556 : i32 to index
      %get3A_559 = arith.index_cast %get3A_557 : i32 to index
      %get3A_560 = arith.constant 112 : index
      %get3A_561 = tpu.vector_load %arg6[%get3A_558, %get3A_559, %get3A_560] {strides = array<i32>} : memref<2x4x128xi32, #tpu.memory_space<vmem>>, vector<1x1x16xi32>,
      %get3A_562 = vector.shape_cast %get3A_561 : vector<1x1x16xi32> to vector<16xi32>
      %max3A_563 = arith.constant 0 : i32
      %max3A_564 = vector.broadcast %max3A_563 : i32 to vector<16xi32>
      %max3A_565 = arith.maxsi %get3A_562, %max3A_564 : vector<16xi32>
      %min3A_566 = arith.constant 69 : i32
      %min3A_567 = vector.broadcast %min3A_566 : i32 to vector<16xi32>
      %min3A_568 = arith.minsi %max3A_565, %min3A_567 : vector<16xi32>
      %swap3A_569 = arith.constant 0 : i32
      %swap3A_570 = arith.constant 2 : i32
      %swap3A_571 = arith.index_cast %swap3A_569 : i32 to index
      %swap3A_572 = arith.index_cast %swap3A_570 : i32 to index
      %swap3A_573 = arith.constant 112 : index
      %swap3A_574 = tpu.vector_load %arg6[%swap3A_571, %swap3A_572, %swap3A_573] {strides = array<i32>} : memref<2x4x128xi32, #tpu.memory_space<vmem>>, vector<1x1x16xi32>,
      %swap3A_575 = vector.shape_cast %swap3A_574 : vector<1x1x16xi32> to vector<16xi32>
      %swap3A_576 = vector.shape_cast %min3A_568 : vector<16xi32> to vector<1x1x16xi32>
      tpu.vector_store %arg6[%swap3A_571, %swap3A_572, %swap3A_573], %swap3A_576 {strides = array<i32>} : memref<2x4x128xi32, #tpu.memory_space<vmem>>, vector<1x1x16xi32>,
      %get3A_577 = arith.constant 0 : i32
      %get3A_578 = arith.constant 3 : i32
      %get3A_579 = arith.index_cast %get3A_577 : i32 to index
      %get3A_580 = arith.index_cast %get3A_578 : i32 to index
      %get3A_581 = arith.constant 0 : index
      %get3A_582 = tpu.vector_load %arg6[%get3A_579, %get3A_580, %get3A_581] {strides = array<i32>} : memref<2x4x128xi32, #tpu.memory_space<vmem>>, vector<1x1x16xi32>,
      %get3A_583 = vector.shape_cast %get3A_582 : vector<1x1x16xi32> to vector<16xi32>
      %max3A_584 = arith.constant 0 : i32
      %max3A_585 = vector.broadcast %max3A_584 : i32 to vector<16xi32>
      %max3A_586 = arith.maxsi %get3A_583, %max3A_585 : vector<16xi32>
      %min3A_587 = arith.constant 69 : i32
      %min3A_588 = vector.broadcast %min3A_587 : i32 to vector<16xi32>
      %min3A_589 = arith.minsi %max3A_586, %min3A_588 : vector<16xi32>
      %swap3A_590 = arith.constant 0 : i32
      %swap3A_591 = arith.constant 3 : i32
      %swap3A_592 = arith.index_cast %swap3A_590 : i32 to index
      %swap3A_593 = arith.index_cast %swap3A_591 : i32 to index
      %swap3A_594 = arith.constant 0 : index
      %swap3A_595 = tpu.vector_load %arg6[%swap3A_592, %swap3A_593, %swap3A_594] {strides = array<i32>} : memref<2x4x128xi32, #tpu.memory_space<vmem>>, vector<1x1x16xi32>,
      %swap3A_596 = vector.shape_cast %swap3A_595 : vector<1x1x16xi32> to vector<16xi32>
      %swap3A_597 = vector.shape_cast %min3A_589 : vector<16xi32> to vector<1x1x16xi32>
      tpu.vector_store %arg6[%swap3A_592, %swap3A_593, %swap3A_594], %swap3A_597 {strides = array<i32>} : memref<2x4x128xi32, #tpu.memory_space<vmem>>, vector<1x1x16xi32>,
      %get3A_598 = arith.constant 0 : i32
      %get3A_599 = arith.constant 3 : i32
      %get3A_600 = arith.index_cast %get3A_598 : i32 to index
      %get3A_601 = arith.index_cast %get3A_599 : i32 to index
      %get3A_602 = arith.constant 16 : index
      %get3A_603 = tpu.vector_load %arg6[%get3A_600, %get3A_601, %get3A_602] {strides = array<i32>} : memref<2x4x128xi32, #tpu.memory_space<vmem>>, vector<1x1x16xi32>,
      %get3A_604 = vector.shape_cast %get3A_603 : vector<1x1x16xi32> to vector<16xi32>
      %max3A_605 = arith.constant 0 : i32
      %max3A_606 = vector.broadcast %max3A_605 : i32 to vector<16xi32>
      %max3A_607 = arith.maxsi %get3A_604, %max3A_606 : vector<16xi32>
      %min3A_608 = arith.constant 69 : i32
      %min3A_609 = vector.broadcast %min3A_608 : i32 to vector<16xi32>
      %min3A_610 = arith.minsi %max3A_607, %min3A_609 : vector<16xi32>
      %swap3A_611 = arith.constant 0 : i32
      %swap3A_612 = arith.constant 3 : i32
      %swap3A_613 = arith.index_cast %swap3A_611 : i32 to index
      %swap3A_614 = arith.index_cast %swap3A_612 : i32 to index
      %swap3A_615 = arith.constant 16 : index
      %swap3A_616 = tpu.vector_load %arg6[%swap3A_613, %swap3A_614, %swap3A_615] {strides = array<i32>} : memref<2x4x128xi32, #tpu.memory_space<vmem>>, vector<1x1x16xi32>,
      %swap3A_617 = vector.shape_cast %swap3A_616 : vector<1x1x16xi32> to vector<16xi32>
      %swap3A_618 = vector.shape_cast %min3A_610 : vector<16xi32> to vector<1x1x16xi32>
      tpu.vector_store %arg6[%swap3A_613, %swap3A_614, %swap3A_615], %swap3A_618 {strides = array<i32>} : memref<2x4x128xi32, #tpu.memory_space<vmem>>, vector<1x1x16xi32>,
      %get3A_619 = arith.constant 0 : i32
      %get3A_620 = arith.constant 3 : i32
      %get3A_621 = arith.index_cast %get3A_619 : i32 to index
      %get3A_622 = arith.index_cast %get3A_620 : i32 to index
      %get3A_623 = arith.constant 32 : index
      %get3A_624 = tpu.vector_load %arg6[%get3A_621, %get3A_622, %get3A_623] {strides = array<i32>} : memref<2x4x128xi32, #tpu.memory_space<vmem>>, vector<1x1x16xi32>,
      %get3A_625 = vector.shape_cast %get3A_624 : vector<1x1x16xi32> to vector<16xi32>
      %max3A_626 = arith.constant 0 : i32
      %max3A_627 = vector.broadcast %max3A_626 : i32 to vector<16xi32>
      %max3A_628 = arith.maxsi %get3A_625, %max3A_627 : vector<16xi32>
      %min3A_629 = arith.constant 69 : i32
      %min3A_630 = vector.broadcast %min3A_629 : i32 to vector<16xi32>
      %min3A_631 = arith.minsi %max3A_628, %min3A_630 : vector<16xi32>
      %swap3A_632 = arith.constant 0 : i32
      %swap3A_633 = arith.constant 3 : i32
      %swap3A_634 = arith.index_cast %swap3A_632 : i32 to index
      %swap3A_635 = arith.index_cast %swap3A_633 : i32 to index
      %swap3A_636 = arith.constant 32 : index
      %swap3A_637 = tpu.vector_load %arg6[%swap3A_634, %swap3A_635, %swap3A_636] {strides = array<i32>} : memref<2x4x128xi32, #tpu.memory_space<vmem>>, vector<1x1x16xi32>,
      %swap3A_638 = vector.shape_cast %swap3A_637 : vector<1x1x16xi32> to vector<16xi32>
      %swap3A_639 = vector.shape_cast %min3A_631 : vector<16xi32> to vector<1x1x16xi32>
      tpu.vector_store %arg6[%swap3A_634, %swap3A_635, %swap3A_636], %swap3A_639 {strides = array<i32>} : memref<2x4x128xi32, #tpu.memory_space<vmem>>, vector<1x1x16xi32>,
      %get3A_640 = arith.constant 0 : i32
      %get3A_641 = arith.constant 3 : i32
      %get3A_642 = arith.index_cast %get3A_640 : i32 to index
      %get3A_643 = arith.index_cast %get3A_641 : i32 to index
      %get3A_644 = arith.constant 48 : index
      %get3A_645 = tpu.vector_load %arg6[%get3A_642, %get3A_643, %get3A_644] {strides = array<i32>} : memref<2x4x128xi32, #tpu.memory_space<vmem>>, vector<1x1x16xi32>,
      %get3A_646 = vector.shape_cast %get3A_645 : vector<1x1x16xi32> to vector<16xi32>
      %max3A_647 = arith.constant 0 : i32
      %max3A_648 = vector.broadcast %max3A_647 : i32 to vector<16xi32>
      %max3A_649 = arith.maxsi %get3A_646, %max3A_648 : vector<16xi32>
      %min3A_650 = arith.constant 69 : i32
      %min3A_651 = vector.broadcast %min3A_650 : i32 to vector<16xi32>
      %min3A_652 = arith.minsi %max3A_649, %min3A_651 : vector<16xi32>
      %swap3A_653 = arith.constant 0 : i32
      %swap3A_654 = arith.constant 3 : i32
      %swap3A_655 = arith.index_cast %swap3A_653 : i32 to index
      %swap3A_656 = arith.index_cast %swap3A_654 : i32 to index
      %swap3A_657 = arith.constant 48 : index
      %swap3A_658 = tpu.vector_load %arg6[%swap3A_655, %swap3A_656, %swap3A_657] {strides = array<i32>} : memref<2x4x128xi32, #tpu.memory_space<vmem>>, vector<1x1x16xi32>,
      %swap3A_659 = vector.shape_cast %swap3A_658 : vector<1x1x16xi32> to vector<16xi32>
      %swap3A_660 = vector.shape_cast %min3A_652 : vector<16xi32> to vector<1x1x16xi32>
      tpu.vector_store %arg6[%swap3A_655, %swap3A_656, %swap3A_657], %swap3A_660 {strides = array<i32>} : memref<2x4x128xi32, #tpu.memory_space<vmem>>, vector<1x1x16xi32>,
      %get3A_661 = arith.constant 0 : i32
      %get3A_662 = arith.constant 3 : i32
      %get3A_663 = arith.index_cast %get3A_661 : i32 to index
      %get3A_664 = arith.index_cast %get3A_662 : i32 to index
      %get3A_665 = arith.constant 64 : index
      %get3A_666 = tpu.vector_load %arg6[%get3A_663, %get3A_664, %get3A_665] {strides = array<i32>} : memref<2x4x128xi32, #tpu.memory_space<vmem>>, vector<1x1x16xi32>,
      %get3A_667 = vector.shape_cast %get3A_666 : vector<1x1x16xi32> to vector<16xi32>
      %max3A_668 = arith.constant 0 : i32
      %max3A_669 = vector.broadcast %max3A_668 : i32 to vector<16xi32>
      %max3A_670 = arith.maxsi %get3A_667, %max3A_669 : vector<16xi32>
      %min3A_671 = arith.constant 69 : i32
      %min3A_672 = vector.broadcast %min3A_671 : i32 to vector<16xi32>
      %min3A_673 = arith.minsi %max3A_670, %min3A_672 : vector<16xi32>
      %swap3A_674 = arith.constant 0 : i32
      %swap3A_675 = arith.constant 3 : i32
      %swap3A_676 = arith.index_cast %swap3A_674 : i32 to index
      %swap3A_677 = arith.index_cast %swap3A_675 : i32 to index
      %swap3A_678 = arith.constant 64 : index
      %swap3A_679 = tpu.vector_load %arg6[%swap3A_676, %swap3A_677, %swap3A_678] {strides = array<i32>} : memref<2x4x128xi32, #tpu.memory_space<vmem>>, vector<1x1x16xi32>,
      %swap3A_680 = vector.shape_cast %swap3A_679 : vector<1x1x16xi32> to vector<16xi32>
      %swap3A_681 = vector.shape_cast %min3A_673 : vector<16xi32> to vector<1x1x16xi32>
      tpu.vector_store %arg6[%swap3A_676, %swap3A_677, %swap3A_678], %swap3A_681 {strides = array<i32>} : memref<2x4x128xi32, #tpu.memory_space<vmem>>, vector<1x1x16xi32>,
      %get3A_682 = arith.constant 0 : i32
      %get3A_683 = arith.constant 3 : i32
      %get3A_684 = arith.index_cast %get3A_682 : i32 to index
      %get3A_685 = arith.index_cast %get3A_683 : i32 to index
      %get3A_686 = arith.constant 80 : index
      %get3A_687 = tpu.vector_load %arg6[%get3A_684, %get3A_685, %get3A_686] {strides = array<i32>} : memref<2x4x128xi32, #tpu.memory_space<vmem>>, vector<1x1x16xi32>,
      %get3A_688 = vector.shape_cast %get3A_687 : vector<1x1x16xi32> to vector<16xi32>
      %max3A_689 = arith.constant 0 : i32
      %max3A_690 = vector.broadcast %max3A_689 : i32 to vector<16xi32>
      %max3A_691 = arith.maxsi %get3A_688, %max3A_690 : vector<16xi32>
      %min3A_692 = arith.constant 69 : i32
      %min3A_693 = vector.broadcast %min3A_692 : i32 to vector<16xi32>
      %min3A_694 = arith.minsi %max3A_691, %min3A_693 : vector<16xi32>
      %swap3A_695 = arith.constant 0 : i32
      %swap3A_696 = arith.constant 3 : i32
      %swap3A_697 = arith.index_cast %swap3A_695 : i32 to index
      %swap3A_698 = arith.index_cast %swap3A_696 : i32 to index
      %swap3A_699 = arith.constant 80 : index
      %swap3A_700 = tpu.vector_load %arg6[%swap3A_697, %swap3A_698, %swap3A_699] {strides = array<i32>} : memref<2x4x128xi32, #tpu.memory_space<vmem>>, vector<1x1x16xi32>,
      %swap3A_701 = vector.shape_cast %swap3A_700 : vector<1x1x16xi32> to vector<16xi32>
      %swap3A_702 = vector.shape_cast %min3A_694 : vector<16xi32> to vector<1x1x16xi32>
      tpu.vector_store %arg6[%swap3A_697, %swap3A_698, %swap3A_699], %swap3A_702 {strides = array<i32>} : memref<2x4x128xi32, #tpu.memory_space<vmem>>, vector<1x1x16xi32>,
      %get3A_703 = arith.constant 0 : i32
      %get3A_704 = arith.constant 3 : i32
      %get3A_705 = arith.index_cast %get3A_703 : i32 to index
      %get3A_706 = arith.index_cast %get3A_704 : i32 to index
      %get3A_707 = arith.constant 96 : index
      %get3A_708 = tpu.vector_load %arg6[%get3A_705, %get3A_706, %get3A_707] {strides = array<i32>} : memref<2x4x128xi32, #tpu.memory_space<vmem>>, vector<1x1x16xi32>,
      %get3A_709 = vector.shape_cast %get3A_708 : vector<1x1x16xi32> to vector<16xi32>
      %max3A_710 = arith.constant 0 : i32
      %max3A_711 = vector.broadcast %max3A_710 : i32 to vector<16xi32>
      %max3A_712 = arith.maxsi %get3A_709, %max3A_711 : vector<16xi32>
      %min3A_713 = arith.constant 69 : i32
      %min3A_714 = vector.broadcast %min3A_713 : i32 to vector<16xi32>
      %min3A_715 = arith.minsi %max3A_712, %min3A_714 : vector<16xi32>
      %swap3A_716 = arith.constant 0 : i32
      %swap3A_717 = arith.constant 3 : i32
      %swap3A_718 = arith.index_cast %swap3A_716 : i32 to index
      %swap3A_719 = arith.index_cast %swap3A_717 : i32 to index
      %swap3A_720 = arith.constant 96 : index
      %swap3A_721 = tpu.vector_load %arg6[%swap3A_718, %swap3A_719, %swap3A_720] {strides = array<i32>} : memref<2x4x128xi32, #tpu.memory_space<vmem>>, vector<1x1x16xi32>,
      %swap3A_722 = vector.shape_cast %swap3A_721 : vector<1x1x16xi32> to vector<16xi32>
      %swap3A_723 = vector.shape_cast %min3A_715 : vector<16xi32> to vector<1x1x16xi32>
      tpu.vector_store %arg6[%swap3A_718, %swap3A_719, %swap3A_720], %swap3A_723 {strides = array<i32>} : memref<2x4x128xi32, #tpu.memory_space<vmem>>, vector<1x1x16xi32>,
      %get3A_724 = arith.constant 0 : i32
      %get3A_725 = arith.constant 3 : i32
      %get3A_726 = arith.index_cast %get3A_724 : i32 to index
      %get3A_727 = arith.index_cast %get3A_725 : i32 to index
      %get3A_728 = arith.constant 112 : index
      %get3A_729 = tpu.vector_load %arg6[%get3A_726, %get3A_727, %get3A_728] {strides = array<i32>} : memref<2x4x128xi32, #tpu.memory_space<vmem>>, vector<1x1x16xi32>,
      %get3A_730 = vector.shape_cast %get3A_729 : vector<1x1x16xi32> to vector<16xi32>
      %max3A_731 = arith.constant 0 : i32
      %max3A_732 = vector.broadcast %max3A_731 : i32 to vector<16xi32>
      %max3A_733 = arith.maxsi %get3A_730, %max3A_732 : vector<16xi32>
      %min3A_734 = arith.constant 69 : i32
      %min3A_735 = vector.broadcast %min3A_734 : i32 to vector<16xi32>
      %min3A_736 = arith.minsi %max3A_733, %min3A_735 : vector<16xi32>
      %swap3A_737 = arith.constant 0 : i32
      %swap3A_738 = arith.constant 3 : i32
      %swap3A_739 = arith.index_cast %swap3A_737 : i32 to index
      %swap3A_740 = arith.index_cast %swap3A_738 : i32 to index
      %swap3A_741 = arith.constant 112 : index
      %swap3A_742 = tpu.vector_load %arg6[%swap3A_739, %swap3A_740, %swap3A_741] {strides = array<i32>} : memref<2x4x128xi32, #tpu.memory_space<vmem>>, vector<1x1x16xi32>,
      %swap3A_743 = vector.shape_cast %swap3A_742 : vector<1x1x16xi32> to vector<16xi32>
      %swap3A_744 = vector.shape_cast %min3A_736 : vector<16xi32> to vector<1x1x16xi32>
      tpu.vector_store %arg6[%swap3A_739, %swap3A_740, %swap3A_741], %swap3A_744 {strides = array<i32>} : memref<2x4x128xi32, #tpu.memory_space<vmem>>, vector<1x1x16xi32>,
      %mul3A_745 = arith.constant 128 : i32
      %mul3A_746 = arith.muli %add3A_76, %mul3A_745 : i32
      %ge3A = arith.constant 1 : i32
      %ge3A_747 = arith.cmpi sge, %add3A_51, %ge3A : i32
      %convert_element_type3A_748 = arith.extui %ge3A_747 : i1 to i32
      %cond3A_749 = arith.constant 0 : i32
      %cond3A_750 = arith.cmpi ne, %convert_element_type3A_748, %cond3A_749 : i32
      scf.if %cond3A_750 {
        %dma_wait3A_1778 = arith.constant 0 : i32
        %dma_wait3A_1779 = arith.constant 0 : i32
        %dma_wait3A_1780 = tpu.memref_slice %arg7[%dma_wait3A_1778, %dma_wait3A_1779] : memref<512x128xf32, #tpu.memory_space<vmem>> -> memref<256x128xf32, #tpu.memory_space<vmem>>
        %dma_wait3A_1781 = arith.constant 0 : i32
        %dma_wait3A_1782 = tpu.memref_slice %arg4[%mul3A_746, %dma_wait3A_1781] : memref<3276800x128xf32, #tpu.memory_space<hbm>> -> memref<256x128xf32, #tpu.memory_space<hbm>>
        %dma_wait3A_1783 = arith.constant 0 : i32
        %dma_wait3A_1784 = tpu.memref_slice %arg4[%mul3A_746, %dma_wait3A_1783] : memref<3276800x128xf32, #tpu.memory_space<hbm>> -> memref<256x128xf32, #tpu.memory_space<hbm>>
        %dma_wait3A_1785 = arith.constant 0 : i32
        %dma_wait3A_1786 = arith.constant 0 : i32
        %dma_wait3A_1787 = tpu.memref_slice %arg7[%dma_wait3A_1785, %dma_wait3A_1786] : memref<512x128xf32, #tpu.memory_space<vmem>> -> memref<256x128xf32, #tpu.memory_space<vmem>>
        tpu.wait_dma2 semaphore(%arg14 : memref<!tpu.dma_semaphore, #tpu.memory_space<semaphore_mem>>) src(%dma_wait3A_1787 : memref<256x128xf32, #tpu.memory_space<vmem>>) dst(%dma_wait3A_1784 : memref<256x128xf32, #tpu.memory_space<hbm>>)
      } else {
      }
      %dma_start3A_751 = arith.constant 0 : i32
      %dma_start3A_752 = arith.constant 0 : i32
      %dma_start3A_753 = arith.constant 0 : i32
      %dma_start3A_754 = arith.constant 0 : i32
      %dma_start3A_755 = tpu.memref_slice %arg7[%dma_start3A_753, %dma_start3A_754] : memref<512x128xf32, #tpu.memory_space<vmem>> -> memref<128x128xf32, #tpu.memory_space<vmem>>
      %dma_start3A_756 = arith.constant 0 : i32
      %dma_start3A_757 = arith.constant 0 : i32
      %dma_start3A_758 = tpu.memref_slice %arg6[%dma_start3A_751, %dma_start3A_756, %dma_start3A_757] : memref<2x4x128xi32, #tpu.memory_space<vmem>> -> memref<1x4x128xi32, #tpu.memory_space<vmem>>
      %dma_start3A_759 = tpu.memref_squeeze %dma_start3A_758 : memref<1x4x128xi32, #tpu.memory_space<vmem>> -> memref<4x128xi32, #tpu.memory_space<vmem>>
      %dma_start3A_760 = arith.constant 0 : i32
      %dma_start3A_761 = tpu.memref_slice %dma_start3A_759[%dma_start3A_752, %dma_start3A_760] : memref<4x128xi32, #tpu.memory_space<vmem>> -> memref<1x128xi32, #tpu.memory_space<vmem>>
      %dma_start3A_762 = tpu.memref_squeeze %dma_start3A_761 : memref<1x128xi32, #tpu.memory_space<vmem>> -> memref<128xi32, #tpu.memory_space<vmem>>
      %dma_start3A_763 = arith.constant 0 : i32
      %dma_start3A_764 = arith.constant 0 : i32
      %dma_start3A_765 = tpu.memref_slice %arg5[%dma_start3A_763, %dma_start3A_764] : memref<70x128xf32, #tpu.memory_space<vmem_shared>> -> memref<70x128xf32, #tpu.memory_space<vmem_shared>>
      tpu.enqueue_indirect_dma source(%dma_start3A_765 : memref<70x128xf32, #tpu.memory_space<vmem_shared>>) target(%dma_start3A_755 : memref<128x128xf32, #tpu.memory_space<vmem>>) offsets(%dma_start3A_762 : memref<128xi32, #tpu.memory_space<vmem>>) semaphore(%arg10 : memref<!tpu.dma_semaphore, #tpu.memory_space<semaphore_mem>>)
      %mul3A_766 = arith.constant 128 : i32
      %mul3A_767 = arith.muli %add3A_76, %mul3A_766 : i32
      %dma_start3A_768 = arith.constant 0 : i32
      %dma_start3A_769 = arith.constant 1 : i32
      %dma_start3A_770 = arith.constant 128 : i32
      %dma_start3A_771 = arith.constant 0 : i32
      %dma_start3A_772 = tpu.memref_slice %arg7[%dma_start3A_770, %dma_start3A_771] : memref<512x128xf32, #tpu.memory_space<vmem>> -> memref<128x128xf32, #tpu.memory_space<vmem>>
      %dma_start3A_773 = arith.constant 0 : i32
      %dma_start3A_774 = arith.constant 0 : i32
      %dma_start3A_775 = tpu.memref_slice %arg6[%dma_start3A_768, %dma_start3A_773, %dma_start3A_774] : memref<2x4x128xi32, #tpu.memory_space<vmem>> -> memref<1x4x128xi32, #tpu.memory_space<vmem>>
      %dma_start3A_776 = tpu.memref_squeeze %dma_start3A_775 : memref<1x4x128xi32, #tpu.memory_space<vmem>> -> memref<4x128xi32, #tpu.memory_space<vmem>>
      %dma_start3A_777 = arith.constant 0 : i32
      %dma_start3A_778 = tpu.memref_slice %dma_start3A_776[%dma_start3A_769, %dma_start3A_777] : memref<4x128xi32, #tpu.memory_space<vmem>> -> memref<1x128xi32, #tpu.memory_space<vmem>>
      %dma_start3A_779 = tpu.memref_squeeze %dma_start3A_778 : memref<1x128xi32, #tpu.memory_space<vmem>> -> memref<128xi32, #tpu.memory_space<vmem>>
      %dma_start3A_780 = arith.constant 0 : i32
      %dma_start3A_781 = arith.constant 0 : i32
      %dma_start3A_782 = tpu.memref_slice %arg5[%dma_start3A_780, %dma_start3A_781] : memref<70x128xf32, #tpu.memory_space<vmem_shared>> -> memref<70x128xf32, #tpu.memory_space<vmem_shared>>
      tpu.enqueue_indirect_dma source(%dma_start3A_782 : memref<70x128xf32, #tpu.memory_space<vmem_shared>>) target(%dma_start3A_772 : memref<128x128xf32, #tpu.memory_space<vmem>>) offsets(%dma_start3A_779 : memref<128xi32, #tpu.memory_space<vmem>>) semaphore(%arg11 : memref<!tpu.dma_semaphore, #tpu.memory_space<semaphore_mem>>)
      %mul3A_783 = arith.constant 128 : i32
      %mul3A_784 = arith.muli %add3A_76, %mul3A_783 : i32
      %ge3A_785 = arith.constant 1 : i32
      %ge3A_786 = arith.cmpi sge, %add3A_51, %ge3A_785 : i32
      %convert_element_type3A_787 = arith.extui %ge3A_786 : i1 to i32
      %cond3A_788 = arith.constant 0 : i32
      %cond3A_789 = arith.cmpi ne, %convert_element_type3A_787, %cond3A_788 : i32
      scf.if %cond3A_789 {
        %dma_wait3A_1778 = arith.constant 256 : i32
        %dma_wait3A_1779 = arith.constant 0 : i32
        %dma_wait3A_1780 = tpu.memref_slice %arg7[%dma_wait3A_1778, %dma_wait3A_1779] : memref<512x128xf32, #tpu.memory_space<vmem>> -> memref<256x128xf32, #tpu.memory_space<vmem>>
        %dma_wait3A_1781 = arith.constant 0 : i32
        %dma_wait3A_1782 = tpu.memref_slice %arg4[%mul3A_784, %dma_wait3A_1781] : memref<3276800x128xf32, #tpu.memory_space<hbm>> -> memref<256x128xf32, #tpu.memory_space<hbm>>
        %dma_wait3A_1783 = arith.constant 0 : i32
        %dma_wait3A_1784 = tpu.memref_slice %arg4[%mul3A_784, %dma_wait3A_1783] : memref<3276800x128xf32, #tpu.memory_space<hbm>> -> memref<256x128xf32, #tpu.memory_space<hbm>>
        %dma_wait3A_1785 = arith.constant 256 : i32
        %dma_wait3A_1786 = arith.constant 0 : i32
        %dma_wait3A_1787 = tpu.memref_slice %arg7[%dma_wait3A_1785, %dma_wait3A_1786] : memref<512x128xf32, #tpu.memory_space<vmem>> -> memref<256x128xf32, #tpu.memory_space<vmem>>
        tpu.wait_dma2 semaphore(%arg15 : memref<!tpu.dma_semaphore, #tpu.memory_space<semaphore_mem>>) src(%dma_wait3A_1787 : memref<256x128xf32, #tpu.memory_space<vmem>>) dst(%dma_wait3A_1784 : memref<256x128xf32, #tpu.memory_space<hbm>>)
      } else {
      }
      %dma_start3A_790 = arith.constant 0 : i32
      %dma_start3A_791 = arith.constant 2 : i32
      %dma_start3A_792 = arith.constant 256 : i32
      %dma_start3A_793 = arith.constant 0 : i32
      %dma_start3A_794 = tpu.memref_slice %arg7[%dma_start3A_792, %dma_start3A_793] : memref<512x128xf32, #tpu.memory_space<vmem>> -> memref<128x128xf32, #tpu.memory_space<vmem>>
      %dma_start3A_795 = arith.constant 0 : i32
      %dma_start3A_796 = arith.constant 0 : i32
      %dma_start3A_797 = tpu.memref_slice %arg6[%dma_start3A_790, %dma_start3A_795, %dma_start3A_796] : memref<2x4x128xi32, #tpu.memory_space<vmem>> -> memref<1x4x128xi32, #tpu.memory_space<vmem>>
      %dma_start3A_798 = tpu.memref_squeeze %dma_start3A_797 : memref<1x4x128xi32, #tpu.memory_space<vmem>> -> memref<4x128xi32, #tpu.memory_space<vmem>>
      %dma_start3A_799 = arith.constant 0 : i32
      %dma_start3A_800 = tpu.memref_slice %dma_start3A_798[%dma_start3A_791, %dma_start3A_799] : memref<4x128xi32, #tpu.memory_space<vmem>> -> memref<1x128xi32, #tpu.memory_space<vmem>>
      %dma_start3A_801 = tpu.memref_squeeze %dma_start3A_800 : memref<1x128xi32, #tpu.memory_space<vmem>> -> memref<128xi32, #tpu.memory_space<vmem>>
      %dma_start3A_802 = arith.constant 0 : i32
      %dma_start3A_803 = arith.constant 0 : i32
      %dma_start3A_804 = tpu.memref_slice %arg5[%dma_start3A_802, %dma_start3A_803] : memref<70x128xf32, #tpu.memory_space<vmem_shared>> -> memref<70x128xf32, #tpu.memory_space<vmem_shared>>
      tpu.enqueue_indirect_dma source(%dma_start3A_804 : memref<70x128xf32, #tpu.memory_space<vmem_shared>>) target(%dma_start3A_794 : memref<128x128xf32, #tpu.memory_space<vmem>>) offsets(%dma_start3A_801 : memref<128xi32, #tpu.memory_space<vmem>>) semaphore(%arg12 : memref<!tpu.dma_semaphore, #tpu.memory_space<semaphore_mem>>)
      %mul3A_805 = arith.constant 128 : i32
      %mul3A_806 = arith.muli %add3A_76, %mul3A_805 : i32
      %dma_start3A_807 = arith.constant 0 : i32
      %dma_start3A_808 = arith.constant 3 : i32
      %dma_start3A_809 = arith.constant 384 : i32
      %dma_start3A_810 = arith.constant 0 : i32
      %dma_start3A_811 = tpu.memref_slice %arg7[%dma_start3A_809, %dma_start3A_810] : memref<512x128xf32, #tpu.memory_space<vmem>> -> memref<128x128xf32, #tpu.memory_space<vmem>>
      %dma_start3A_812 = arith.constant 0 : i32
      %dma_start3A_813 = arith.constant 0 : i32
      %dma_start3A_814 = tpu.memref_slice %arg6[%dma_start3A_807, %dma_start3A_812, %dma_start3A_813] : memref<2x4x128xi32, #tpu.memory_space<vmem>> -> memref<1x4x128xi32, #tpu.memory_space<vmem>>
      %dma_start3A_815 = tpu.memref_squeeze %dma_start3A_814 : memref<1x4x128xi32, #tpu.memory_space<vmem>> -> memref<4x128xi32, #tpu.memory_space<vmem>>
      %dma_start3A_816 = arith.constant 0 : i32
      %dma_start3A_817 = tpu.memref_slice %dma_start3A_815[%dma_start3A_808, %dma_start3A_816] : memref<4x128xi32, #tpu.memory_space<vmem>> -> memref<1x128xi32, #tpu.memory_space<vmem>>
      %dma_start3A_818 = tpu.memref_squeeze %dma_start3A_817 : memref<1x128xi32, #tpu.memory_space<vmem>> -> memref<128xi32, #tpu.memory_space<vmem>>
      %dma_start3A_819 = arith.constant 0 : i32
      %dma_start3A_820 = arith.constant 0 : i32
      %dma_start3A_821 = tpu.memref_slice %arg5[%dma_start3A_819, %dma_start3A_820] : memref<70x128xf32, #tpu.memory_space<vmem_shared>> -> memref<70x128xf32, #tpu.memory_space<vmem_shared>>
      tpu.enqueue_indirect_dma source(%dma_start3A_821 : memref<70x128xf32, #tpu.memory_space<vmem_shared>>) target(%dma_start3A_811 : memref<128x128xf32, #tpu.memory_space<vmem>>) offsets(%dma_start3A_818 : memref<128xi32, #tpu.memory_space<vmem>>) semaphore(%arg13 : memref<!tpu.dma_semaphore, #tpu.memory_space<semaphore_mem>>)
      %dma_wait3A_822 = arith.constant 0 : i32
      %dma_wait3A_823 = arith.constant 0 : i32
      %dma_wait3A_824 = arith.constant 0 : i32
      %dma_wait3A_825 = arith.constant 0 : i32
      %dma_wait3A_826 = tpu.memref_slice %arg7[%dma_wait3A_824, %dma_wait3A_825] : memref<512x128xf32, #tpu.memory_space<vmem>> -> memref<128x128xf32, #tpu.memory_space<vmem>>
      %dma_wait3A_827 = arith.constant 0 : i32
      %dma_wait3A_828 = arith.constant 0 : i32
      %dma_wait3A_829 = tpu.memref_slice %arg6[%dma_wait3A_822, %dma_wait3A_827, %dma_wait3A_828] : memref<2x4x128xi32, #tpu.memory_space<vmem>> -> memref<1x4x128xi32, #tpu.memory_space<vmem>>
      %dma_wait3A_830 = tpu.memref_squeeze %dma_wait3A_829 : memref<1x4x128xi32, #tpu.memory_space<vmem>> -> memref<4x128xi32, #tpu.memory_space<vmem>>
      %dma_wait3A_831 = arith.constant 0 : i32
      %dma_wait3A_832 = tpu.memref_slice %dma_wait3A_830[%dma_wait3A_823, %dma_wait3A_831] : memref<4x128xi32, #tpu.memory_space<vmem>> -> memref<1x128xi32, #tpu.memory_space<vmem>>
      %dma_wait3A_833 = tpu.memref_squeeze %dma_wait3A_832 : memref<1x128xi32, #tpu.memory_space<vmem>> -> memref<128xi32, #tpu.memory_space<vmem>>
      %dma_wait3A_834 = arith.constant 0 : i32
      %dma_wait3A_835 = arith.constant 0 : i32
      %dma_wait3A_836 = tpu.memref_slice %arg5[%dma_wait3A_834, %dma_wait3A_835] : memref<70x128xf32, #tpu.memory_space<vmem_shared>> -> memref<70x128xf32, #tpu.memory_space<vmem_shared>>
      tpu.wait_indirect_dma semaphore(%arg10 : memref<!tpu.dma_semaphore, #tpu.memory_space<semaphore_mem>>) src(%dma_wait3A_836 : memref<70x128xf32, #tpu.memory_space<vmem_shared>>) dst(%dma_wait3A_826 : memref<128x128xf32, #tpu.memory_space<vmem>>)
      %dma_wait3A_837 = arith.constant 0 : i32
      %dma_wait3A_838 = arith.constant 1 : i32
      %dma_wait3A_839 = arith.constant 128 : i32
      %dma_wait3A_840 = arith.constant 0 : i32
      %dma_wait3A_841 = tpu.memref_slice %arg7[%dma_wait3A_839, %dma_wait3A_840] : memref<512x128xf32, #tpu.memory_space<vmem>> -> memref<128x128xf32, #tpu.memory_space<vmem>>
      %dma_wait3A_842 = arith.constant 0 : i32
      %dma_wait3A_843 = arith.constant 0 : i32
      %dma_wait3A_844 = tpu.memref_slice %arg6[%dma_wait3A_837, %dma_wait3A_842, %dma_wait3A_843] : memref<2x4x128xi32, #tpu.memory_space<vmem>> -> memref<1x4x128xi32, #tpu.memory_space<vmem>>
      %dma_wait3A_845 = tpu.memref_squeeze %dma_wait3A_844 : memref<1x4x128xi32, #tpu.memory_space<vmem>> -> memref<4x128xi32, #tpu.memory_space<vmem>>
      %dma_wait3A_846 = arith.constant 0 : i32
      %dma_wait3A_847 = tpu.memref_slice %dma_wait3A_845[%dma_wait3A_838, %dma_wait3A_846] : memref<4x128xi32, #tpu.memory_space<vmem>> -> memref<1x128xi32, #tpu.memory_space<vmem>>
      %dma_wait3A_848 = tpu.memref_squeeze %dma_wait3A_847 : memref<1x128xi32, #tpu.memory_space<vmem>> -> memref<128xi32, #tpu.memory_space<vmem>>
      %dma_wait3A_849 = arith.constant 0 : i32
      %dma_wait3A_850 = arith.constant 0 : i32
      %dma_wait3A_851 = tpu.memref_slice %arg5[%dma_wait3A_849, %dma_wait3A_850] : memref<70x128xf32, #tpu.memory_space<vmem_shared>> -> memref<70x128xf32, #tpu.memory_space<vmem_shared>>
      tpu.wait_indirect_dma semaphore(%arg11 : memref<!tpu.dma_semaphore, #tpu.memory_space<semaphore_mem>>) src(%dma_wait3A_851 : memref<70x128xf32, #tpu.memory_space<vmem_shared>>) dst(%dma_wait3A_841 : memref<128x128xf32, #tpu.memory_space<vmem>>)
      %mul3A_852 = arith.constant 128 : i32
      %mul3A_853 = arith.muli %add3A_76, %mul3A_852 : i32
      %add3A_854 = arith.constant 0 : i32
      %add3A_855 = arith.addi %mul3A_853, %add3A_854 : i32
      %dma_start3A_856 = arith.constant 0 : i32
      %dma_start3A_857 = arith.constant 0 : i32
      %dma_start3A_858 = tpu.memref_slice %arg7[%dma_start3A_856, %dma_start3A_857] : memref<512x128xf32, #tpu.memory_space<vmem>> -> memref<256x128xf32, #tpu.memory_space<vmem>>
      %dma_start3A_859 = arith.constant 0 : i32
      %dma_start3A_860 = tpu.memref_slice %arg4[%add3A_855, %dma_start3A_859] : memref<3276800x128xf32, #tpu.memory_space<hbm>> -> memref<256x128xf32, #tpu.memory_space<hbm>>
      %dma_start3A_861 = arith.constant 0 : i32
      %dma_start3A_862 = tpu.memref_slice %arg4[%add3A_855, %dma_start3A_861] : memref<3276800x128xf32, #tpu.memory_space<hbm>> -> memref<256x128xf32, #tpu.memory_space<hbm>>
      %dma_start3A_863 = arith.constant 0 : i32
      %dma_start3A_864 = arith.constant 0 : i32
      %dma_start3A_865 = tpu.memref_slice %arg7[%dma_start3A_863, %dma_start3A_864] : memref<512x128xf32, #tpu.memory_space<vmem>> -> memref<256x128xf32, #tpu.memory_space<vmem>>
      tpu.enqueue_dma source(%dma_start3A_865 : memref<256x128xf32, #tpu.memory_space<vmem>>) target(%dma_start3A_862 : memref<256x128xf32, #tpu.memory_space<hbm>>) target_semaphore(%arg14 : memref<!tpu.dma_semaphore, #tpu.memory_space<semaphore_mem>>)
      %dma_wait3A_866 = arith.constant 0 : i32
      %dma_wait3A_867 = arith.constant 2 : i32
      %dma_wait3A_868 = arith.constant 256 : i32
      %dma_wait3A_869 = arith.constant 0 : i32
      %dma_wait3A_870 = tpu.memref_slice %arg7[%dma_wait3A_868, %dma_wait3A_869] : memref<512x128xf32, #tpu.memory_space<vmem>> -> memref<128x128xf32, #tpu.memory_space<vmem>>
      %dma_wait3A_871 = arith.constant 0 : i32
      %dma_wait3A_872 = arith.constant 0 : i32
      %dma_wait3A_873 = tpu.memref_slice %arg6[%dma_wait3A_866, %dma_wait3A_871, %dma_wait3A_872] : memref<2x4x128xi32, #tpu.memory_space<vmem>> -> memref<1x4x128xi32, #tpu.memory_space<vmem>>
      %dma_wait3A_874 = tpu.memref_squeeze %dma_wait3A_873 : memref<1x4x128xi32, #tpu.memory_space<vmem>> -> memref<4x128xi32, #tpu.memory_space<vmem>>
      %dma_wait3A_875 = arith.constant 0 : i32
      %dma_wait3A_876 = tpu.memref_slice %dma_wait3A_874[%dma_wait3A_867, %dma_wait3A_875] : memref<4x128xi32, #tpu.memory_space<vmem>> -> memref<1x128xi32, #tpu.memory_space<vmem>>
      %dma_wait3A_877 = tpu.memref_squeeze %dma_wait3A_876 : memref<1x128xi32, #tpu.memory_space<vmem>> -> memref<128xi32, #tpu.memory_space<vmem>>
      %dma_wait3A_878 = arith.constant 0 : i32
      %dma_wait3A_879 = arith.constant 0 : i32
      %dma_wait3A_880 = tpu.memref_slice %arg5[%dma_wait3A_878, %dma_wait3A_879] : memref<70x128xf32, #tpu.memory_space<vmem_shared>> -> memref<70x128xf32, #tpu.memory_space<vmem_shared>>
      tpu.wait_indirect_dma semaphore(%arg12 : memref<!tpu.dma_semaphore, #tpu.memory_space<semaphore_mem>>) src(%dma_wait3A_880 : memref<70x128xf32, #tpu.memory_space<vmem_shared>>) dst(%dma_wait3A_870 : memref<128x128xf32, #tpu.memory_space<vmem>>)
      %dma_wait3A_881 = arith.constant 0 : i32
      %dma_wait3A_882 = arith.constant 3 : i32
      %dma_wait3A_883 = arith.constant 384 : i32
      %dma_wait3A_884 = arith.constant 0 : i32
      %dma_wait3A_885 = tpu.memref_slice %arg7[%dma_wait3A_883, %dma_wait3A_884] : memref<512x128xf32, #tpu.memory_space<vmem>> -> memref<128x128xf32, #tpu.memory_space<vmem>>
      %dma_wait3A_886 = arith.constant 0 : i32
      %dma_wait3A_887 = arith.constant 0 : i32
      %dma_wait3A_888 = tpu.memref_slice %arg6[%dma_wait3A_881, %dma_wait3A_886, %dma_wait3A_887] : memref<2x4x128xi32, #tpu.memory_space<vmem>> -> memref<1x4x128xi32, #tpu.memory_space<vmem>>
      %dma_wait3A_889 = tpu.memref_squeeze %dma_wait3A_888 : memref<1x4x128xi32, #tpu.memory_space<vmem>> -> memref<4x128xi32, #tpu.memory_space<vmem>>
      %dma_wait3A_890 = arith.constant 0 : i32
      %dma_wait3A_891 = tpu.memref_slice %dma_wait3A_889[%dma_wait3A_882, %dma_wait3A_890] : memref<4x128xi32, #tpu.memory_space<vmem>> -> memref<1x128xi32, #tpu.memory_space<vmem>>
      %dma_wait3A_892 = tpu.memref_squeeze %dma_wait3A_891 : memref<1x128xi32, #tpu.memory_space<vmem>> -> memref<128xi32, #tpu.memory_space<vmem>>
      %dma_wait3A_893 = arith.constant 0 : i32
      %dma_wait3A_894 = arith.constant 0 : i32
      %dma_wait3A_895 = tpu.memref_slice %arg5[%dma_wait3A_893, %dma_wait3A_894] : memref<70x128xf32, #tpu.memory_space<vmem_shared>> -> memref<70x128xf32, #tpu.memory_space<vmem_shared>>
      tpu.wait_indirect_dma semaphore(%arg13 : memref<!tpu.dma_semaphore, #tpu.memory_space<semaphore_mem>>) src(%dma_wait3A_895 : memref<70x128xf32, #tpu.memory_space<vmem_shared>>) dst(%dma_wait3A_885 : memref<128x128xf32, #tpu.memory_space<vmem>>)
      %mul3A_896 = arith.constant 128 : i32
      %mul3A_897 = arith.muli %add3A_76, %mul3A_896 : i32
      %add3A_898 = arith.constant 256 : i32
      %add3A_899 = arith.addi %mul3A_897, %add3A_898 : i32
      %dma_start3A_900 = arith.constant 256 : i32
      %dma_start3A_901 = arith.constant 0 : i32
      %dma_start3A_902 = tpu.memref_slice %arg7[%dma_start3A_900, %dma_start3A_901] : memref<512x128xf32, #tpu.memory_space<vmem>> -> memref<256x128xf32, #tpu.memory_space<vmem>>
      %dma_start3A_903 = arith.constant 0 : i32
      %dma_start3A_904 = tpu.memref_slice %arg4[%add3A_899, %dma_start3A_903] : memref<3276800x128xf32, #tpu.memory_space<hbm>> -> memref<256x128xf32, #tpu.memory_space<hbm>>
      %dma_start3A_905 = arith.constant 0 : i32
      %dma_start3A_906 = tpu.memref_slice %arg4[%add3A_899, %dma_start3A_905] : memref<3276800x128xf32, #tpu.memory_space<hbm>> -> memref<256x128xf32, #tpu.memory_space<hbm>>
      %dma_start3A_907 = arith.constant 256 : i32
      %dma_start3A_908 = arith.constant 0 : i32
      %dma_start3A_909 = tpu.memref_slice %arg7[%dma_start3A_907, %dma_start3A_908] : memref<512x128xf32, #tpu.memory_space<vmem>> -> memref<256x128xf32, #tpu.memory_space<vmem>>
      tpu.enqueue_dma source(%dma_start3A_909 : memref<256x128xf32, #tpu.memory_space<vmem>>) target(%dma_start3A_906 : memref<256x128xf32, #tpu.memory_space<hbm>>) target_semaphore(%arg15 : memref<!tpu.dma_semaphore, #tpu.memory_space<semaphore_mem>>)
      %mul3A_910 = arith.constant 2 : i32
      %mul3A_911 = arith.muli %scan3A_47, %mul3A_910 : i32
      %add3A_912 = arith.constant 1 : i32
      %add3A_913 = arith.addi %mul3A_911, %add3A_912 : i32
      %add3A_914 = arith.constant 1 : i32
      %add3A_915 = arith.addi %add3A_913, %add3A_914 : i32
      %lt3A_916 = arith.constant 200 : i32
      %lt3A_917 = arith.cmpi slt, %add3A_915, %lt3A_916 : i32
      %convert_element_type3A_918 = arith.extui %lt3A_917 : i1 to i32
      %cond3A_919 = arith.constant 0 : i32
      %cond3A_920 = arith.cmpi ne, %convert_element_type3A_918, %cond3A_919 : i32
      scf.if %cond3A_920 {
        %add3A_1778 = arith.constant 1 : i32
        %add3A_1779 = arith.addi %add3A_913, %add3A_1778 : i32
        %mul3A_1780 = arith.constant 4 : i32
        %mul3A_1781 = arith.muli %add3A_1779, %mul3A_1780 : i32
        %add3A_1782 = arith.addi %mul3A_2, %mul3A_1781 : i32
        %dma_start3A_1783 = arith.constant 0 : i32
        %dma_start3A_1784 = arith.constant 0 : i32
        %dma_start3A_1785 = arith.constant 0 : i32
        %dma_start3A_1786 = tpu.memref_slice %arg6[%dma_start3A_1783, %dma_start3A_1784, %dma_start3A_1785] : memref<2x4x128xi32, #tpu.memory_space<vmem>> -> memref<1x4x128xi32, #tpu.memory_space<vmem>>
        %dma_start3A_1787 = tpu.memref_squeeze %dma_start3A_1786 : memref<1x4x128xi32, #tpu.memory_space<vmem>> -> memref<4x128xi32, #tpu.memory_space<vmem>>
        %dma_start3A_1788 = arith.constant 0 : i32
        %dma_start3A_1789 = tpu.memref_slice %arg3[%add3A_1782, %dma_start3A_1788] : memref<25600x128xi32, #tpu.memory_space<hbm>> -> memref<4x128xi32, #tpu.memory_space<hbm>>
        %dma_start3A_1790 = arith.constant 0 : i32
        %dma_start3A_1791 = arith.constant 0 : i32
        %dma_start3A_1792 = tpu.memref_slice %arg6[%dma_start3A_1783, %dma_start3A_1790, %dma_start3A_1791] : memref<2x4x128xi32, #tpu.memory_space<vmem>> -> memref<1x4x128xi32, #tpu.memory_space<vmem>>
        %dma_start3A_1793 = tpu.memref_squeeze %dma_start3A_1792 : memref<1x4x128xi32, #tpu.memory_space<vmem>> -> memref<4x128xi32, #tpu.memory_space<vmem>>
        %dma_start3A_1794 = arith.constant 0 : i32
        %dma_start3A_1795 = tpu.memref_slice %arg3[%add3A_1782, %dma_start3A_1794] : memref<25600x128xi32, #tpu.memory_space<hbm>> -> memref<4x128xi32, #tpu.memory_space<hbm>>
        tpu.enqueue_dma source(%dma_start3A_1795 : memref<4x128xi32, #tpu.memory_space<hbm>>) target(%dma_start3A_1793 : memref<4x128xi32, #tpu.memory_space<vmem>>) target_semaphore(%arg8 : memref<!tpu.dma_semaphore, #tpu.memory_space<semaphore_mem>>)
      } else {
      }
      %mul3A_921 = arith.constant 4 : i32
      %mul3A_922 = arith.muli %add3A_913, %mul3A_921 : i32
      %add3A_923 = arith.addi %mul3A_2, %mul3A_922 : i32
      %dma_wait3A_924 = arith.constant 1 : i32
      %dma_wait3A_925 = arith.constant 0 : i32
      %dma_wait3A_926 = arith.constant 0 : i32
      %dma_wait3A_927 = tpu.memref_slice %arg6[%dma_wait3A_924, %dma_wait3A_925, %dma_wait3A_926] : memref<2x4x128xi32, #tpu.memory_space<vmem>> -> memref<1x4x128xi32, #tpu.memory_space<vmem>>
      %dma_wait3A_928 = tpu.memref_squeeze %dma_wait3A_927 : memref<1x4x128xi32, #tpu.memory_space<vmem>> -> memref<4x128xi32, #tpu.memory_space<vmem>>
      %dma_wait3A_929 = arith.constant 0 : i32
      %dma_wait3A_930 = tpu.memref_slice %arg3[%add3A_923, %dma_wait3A_929] : memref<25600x128xi32, #tpu.memory_space<hbm>> -> memref<4x128xi32, #tpu.memory_space<hbm>>
      %dma_wait3A_931 = arith.constant 0 : i32
      %dma_wait3A_932 = arith.constant 0 : i32
      %dma_wait3A_933 = tpu.memref_slice %arg6[%dma_wait3A_924, %dma_wait3A_931, %dma_wait3A_932] : memref<2x4x128xi32, #tpu.memory_space<vmem>> -> memref<1x4x128xi32, #tpu.memory_space<vmem>>
      %dma_wait3A_934 = tpu.memref_squeeze %dma_wait3A_933 : memref<1x4x128xi32, #tpu.memory_space<vmem>> -> memref<4x128xi32, #tpu.memory_space<vmem>>
      %dma_wait3A_935 = arith.constant 0 : i32
      %dma_wait3A_936 = tpu.memref_slice %arg3[%add3A_923, %dma_wait3A_935] : memref<25600x128xi32, #tpu.memory_space<hbm>> -> memref<4x128xi32, #tpu.memory_space<hbm>>
      tpu.wait_dma2 semaphore(%arg9 : memref<!tpu.dma_semaphore, #tpu.memory_space<semaphore_mem>>) src(%dma_wait3A_936 : memref<4x128xi32, #tpu.memory_space<hbm>>) dst(%dma_wait3A_934 : memref<4x128xi32, #tpu.memory_space<vmem>>)
      %mul3A_937 = arith.constant 4 : i32
      %mul3A_938 = arith.muli %add3A_913, %mul3A_937 : i32
      %add3A_939 = arith.addi %mul3A_2, %mul3A_938 : i32
      %get3A_940 = arith.constant 1 : i32
      %get3A_941 = arith.constant 0 : i32
      %get3A_942 = arith.index_cast %get3A_940 : i32 to index
      %get3A_943 = arith.index_cast %get3A_941 : i32 to index
      %get3A_944 = arith.constant 0 : index
      %get3A_945 = tpu.vector_load %arg6[%get3A_942, %get3A_943, %get3A_944] {strides = array<i32>} : memref<2x4x128xi32, #tpu.memory_space<vmem>>, vector<1x1x16xi32>,
      %get3A_946 = vector.shape_cast %get3A_945 : vector<1x1x16xi32> to vector<16xi32>
      %max3A_947 = arith.constant 0 : i32
      %max3A_948 = vector.broadcast %max3A_947 : i32 to vector<16xi32>
      %max3A_949 = arith.maxsi %get3A_946, %max3A_948 : vector<16xi32>
      %min3A_950 = arith.constant 69 : i32
      %min3A_951 = vector.broadcast %min3A_950 : i32 to vector<16xi32>
      %min3A_952 = arith.minsi %max3A_949, %min3A_951 : vector<16xi32>
      %swap3A_953 = arith.constant 1 : i32
      %swap3A_954 = arith.constant 0 : i32
      %swap3A_955 = arith.index_cast %swap3A_953 : i32 to index
      %swap3A_956 = arith.index_cast %swap3A_954 : i32 to index
      %swap3A_957 = arith.constant 0 : index
      %swap3A_958 = tpu.vector_load %arg6[%swap3A_955, %swap3A_956, %swap3A_957] {strides = array<i32>} : memref<2x4x128xi32, #tpu.memory_space<vmem>>, vector<1x1x16xi32>,
      %swap3A_959 = vector.shape_cast %swap3A_958 : vector<1x1x16xi32> to vector<16xi32>
      %swap3A_960 = vector.shape_cast %min3A_952 : vector<16xi32> to vector<1x1x16xi32>
      tpu.vector_store %arg6[%swap3A_955, %swap3A_956, %swap3A_957], %swap3A_960 {strides = array<i32>} : memref<2x4x128xi32, #tpu.memory_space<vmem>>, vector<1x1x16xi32>,
      %get3A_961 = arith.constant 1 : i32
      %get3A_962 = arith.constant 0 : i32
      %get3A_963 = arith.index_cast %get3A_961 : i32 to index
      %get3A_964 = arith.index_cast %get3A_962 : i32 to index
      %get3A_965 = arith.constant 16 : index
      %get3A_966 = tpu.vector_load %arg6[%get3A_963, %get3A_964, %get3A_965] {strides = array<i32>} : memref<2x4x128xi32, #tpu.memory_space<vmem>>, vector<1x1x16xi32>,
      %get3A_967 = vector.shape_cast %get3A_966 : vector<1x1x16xi32> to vector<16xi32>
      %max3A_968 = arith.constant 0 : i32
      %max3A_969 = vector.broadcast %max3A_968 : i32 to vector<16xi32>
      %max3A_970 = arith.maxsi %get3A_967, %max3A_969 : vector<16xi32>
      %min3A_971 = arith.constant 69 : i32
      %min3A_972 = vector.broadcast %min3A_971 : i32 to vector<16xi32>
      %min3A_973 = arith.minsi %max3A_970, %min3A_972 : vector<16xi32>
      %swap3A_974 = arith.constant 1 : i32
      %swap3A_975 = arith.constant 0 : i32
      %swap3A_976 = arith.index_cast %swap3A_974 : i32 to index
      %swap3A_977 = arith.index_cast %swap3A_975 : i32 to index
      %swap3A_978 = arith.constant 16 : index
      %swap3A_979 = tpu.vector_load %arg6[%swap3A_976, %swap3A_977, %swap3A_978] {strides = array<i32>} : memref<2x4x128xi32, #tpu.memory_space<vmem>>, vector<1x1x16xi32>,
      %swap3A_980 = vector.shape_cast %swap3A_979 : vector<1x1x16xi32> to vector<16xi32>
      %swap3A_981 = vector.shape_cast %min3A_973 : vector<16xi32> to vector<1x1x16xi32>
      tpu.vector_store %arg6[%swap3A_976, %swap3A_977, %swap3A_978], %swap3A_981 {strides = array<i32>} : memref<2x4x128xi32, #tpu.memory_space<vmem>>, vector<1x1x16xi32>,
      %get3A_982 = arith.constant 1 : i32
      %get3A_983 = arith.constant 0 : i32
      %get3A_984 = arith.index_cast %get3A_982 : i32 to index
      %get3A_985 = arith.index_cast %get3A_983 : i32 to index
      %get3A_986 = arith.constant 32 : index
      %get3A_987 = tpu.vector_load %arg6[%get3A_984, %get3A_985, %get3A_986] {strides = array<i32>} : memref<2x4x128xi32, #tpu.memory_space<vmem>>, vector<1x1x16xi32>,
      %get3A_988 = vector.shape_cast %get3A_987 : vector<1x1x16xi32> to vector<16xi32>
      %max3A_989 = arith.constant 0 : i32
      %max3A_990 = vector.broadcast %max3A_989 : i32 to vector<16xi32>
      %max3A_991 = arith.maxsi %get3A_988, %max3A_990 : vector<16xi32>
      %min3A_992 = arith.constant 69 : i32
      %min3A_993 = vector.broadcast %min3A_992 : i32 to vector<16xi32>
      %min3A_994 = arith.minsi %max3A_991, %min3A_993 : vector<16xi32>
      %swap3A_995 = arith.constant 1 : i32
      %swap3A_996 = arith.constant 0 : i32
      %swap3A_997 = arith.index_cast %swap3A_995 : i32 to index
      %swap3A_998 = arith.index_cast %swap3A_996 : i32 to index
      %swap3A_999 = arith.constant 32 : index
      %swap3A_1000 = tpu.vector_load %arg6[%swap3A_997, %swap3A_998, %swap3A_999] {strides = array<i32>} : memref<2x4x128xi32, #tpu.memory_space<vmem>>, vector<1x1x16xi32>,
      %swap3A_1001 = vector.shape_cast %swap3A_1000 : vector<1x1x16xi32> to vector<16xi32>
      %swap3A_1002 = vector.shape_cast %min3A_994 : vector<16xi32> to vector<1x1x16xi32>
      tpu.vector_store %arg6[%swap3A_997, %swap3A_998, %swap3A_999], %swap3A_1002 {strides = array<i32>} : memref<2x4x128xi32, #tpu.memory_space<vmem>>, vector<1x1x16xi32>,
      %get3A_1003 = arith.constant 1 : i32
      %get3A_1004 = arith.constant 0 : i32
      %get3A_1005 = arith.index_cast %get3A_1003 : i32 to index
      %get3A_1006 = arith.index_cast %get3A_1004 : i32 to index
      %get3A_1007 = arith.constant 48 : index
      %get3A_1008 = tpu.vector_load %arg6[%get3A_1005, %get3A_1006, %get3A_1007] {strides = array<i32>} : memref<2x4x128xi32, #tpu.memory_space<vmem>>, vector<1x1x16xi32>,
      %get3A_1009 = vector.shape_cast %get3A_1008 : vector<1x1x16xi32> to vector<16xi32>
      %max3A_1010 = arith.constant 0 : i32
      %max3A_1011 = vector.broadcast %max3A_1010 : i32 to vector<16xi32>
      %max3A_1012 = arith.maxsi %get3A_1009, %max3A_1011 : vector<16xi32>
      %min3A_1013 = arith.constant 69 : i32
      %min3A_1014 = vector.broadcast %min3A_1013 : i32 to vector<16xi32>
      %min3A_1015 = arith.minsi %max3A_1012, %min3A_1014 : vector<16xi32>
      %swap3A_1016 = arith.constant 1 : i32
      %swap3A_1017 = arith.constant 0 : i32
      %swap3A_1018 = arith.index_cast %swap3A_1016 : i32 to index
      %swap3A_1019 = arith.index_cast %swap3A_1017 : i32 to index
      %swap3A_1020 = arith.constant 48 : index
      %swap3A_1021 = tpu.vector_load %arg6[%swap3A_1018, %swap3A_1019, %swap3A_1020] {strides = array<i32>} : memref<2x4x128xi32, #tpu.memory_space<vmem>>, vector<1x1x16xi32>,
      %swap3A_1022 = vector.shape_cast %swap3A_1021 : vector<1x1x16xi32> to vector<16xi32>
      %swap3A_1023 = vector.shape_cast %min3A_1015 : vector<16xi32> to vector<1x1x16xi32>
      tpu.vector_store %arg6[%swap3A_1018, %swap3A_1019, %swap3A_1020], %swap3A_1023 {strides = array<i32>} : memref<2x4x128xi32, #tpu.memory_space<vmem>>, vector<1x1x16xi32>,
      %get3A_1024 = arith.constant 1 : i32
      %get3A_1025 = arith.constant 0 : i32
      %get3A_1026 = arith.index_cast %get3A_1024 : i32 to index
      %get3A_1027 = arith.index_cast %get3A_1025 : i32 to index
      %get3A_1028 = arith.constant 64 : index
      %get3A_1029 = tpu.vector_load %arg6[%get3A_1026, %get3A_1027, %get3A_1028] {strides = array<i32>} : memref<2x4x128xi32, #tpu.memory_space<vmem>>, vector<1x1x16xi32>,
      %get3A_1030 = vector.shape_cast %get3A_1029 : vector<1x1x16xi32> to vector<16xi32>
      %max3A_1031 = arith.constant 0 : i32
      %max3A_1032 = vector.broadcast %max3A_1031 : i32 to vector<16xi32>
      %max3A_1033 = arith.maxsi %get3A_1030, %max3A_1032 : vector<16xi32>
      %min3A_1034 = arith.constant 69 : i32
      %min3A_1035 = vector.broadcast %min3A_1034 : i32 to vector<16xi32>
      %min3A_1036 = arith.minsi %max3A_1033, %min3A_1035 : vector<16xi32>
      %swap3A_1037 = arith.constant 1 : i32
      %swap3A_1038 = arith.constant 0 : i32
      %swap3A_1039 = arith.index_cast %swap3A_1037 : i32 to index
      %swap3A_1040 = arith.index_cast %swap3A_1038 : i32 to index
      %swap3A_1041 = arith.constant 64 : index
      %swap3A_1042 = tpu.vector_load %arg6[%swap3A_1039, %swap3A_1040, %swap3A_1041] {strides = array<i32>} : memref<2x4x128xi32, #tpu.memory_space<vmem>>, vector<1x1x16xi32>,
      %swap3A_1043 = vector.shape_cast %swap3A_1042 : vector<1x1x16xi32> to vector<16xi32>
      %swap3A_1044 = vector.shape_cast %min3A_1036 : vector<16xi32> to vector<1x1x16xi32>
      tpu.vector_store %arg6[%swap3A_1039, %swap3A_1040, %swap3A_1041], %swap3A_1044 {strides = array<i32>} : memref<2x4x128xi32, #tpu.memory_space<vmem>>, vector<1x1x16xi32>,
      %get3A_1045 = arith.constant 1 : i32
      %get3A_1046 = arith.constant 0 : i32
      %get3A_1047 = arith.index_cast %get3A_1045 : i32 to index
      %get3A_1048 = arith.index_cast %get3A_1046 : i32 to index
      %get3A_1049 = arith.constant 80 : index
      %get3A_1050 = tpu.vector_load %arg6[%get3A_1047, %get3A_1048, %get3A_1049] {strides = array<i32>} : memref<2x4x128xi32, #tpu.memory_space<vmem>>, vector<1x1x16xi32>,
      %get3A_1051 = vector.shape_cast %get3A_1050 : vector<1x1x16xi32> to vector<16xi32>
      %max3A_1052 = arith.constant 0 : i32
      %max3A_1053 = vector.broadcast %max3A_1052 : i32 to vector<16xi32>
      %max3A_1054 = arith.maxsi %get3A_1051, %max3A_1053 : vector<16xi32>
      %min3A_1055 = arith.constant 69 : i32
      %min3A_1056 = vector.broadcast %min3A_1055 : i32 to vector<16xi32>
      %min3A_1057 = arith.minsi %max3A_1054, %min3A_1056 : vector<16xi32>
      %swap3A_1058 = arith.constant 1 : i32
      %swap3A_1059 = arith.constant 0 : i32
      %swap3A_1060 = arith.index_cast %swap3A_1058 : i32 to index
      %swap3A_1061 = arith.index_cast %swap3A_1059 : i32 to index
      %swap3A_1062 = arith.constant 80 : index
      %swap3A_1063 = tpu.vector_load %arg6[%swap3A_1060, %swap3A_1061, %swap3A_1062] {strides = array<i32>} : memref<2x4x128xi32, #tpu.memory_space<vmem>>, vector<1x1x16xi32>,
      %swap3A_1064 = vector.shape_cast %swap3A_1063 : vector<1x1x16xi32> to vector<16xi32>
      %swap3A_1065 = vector.shape_cast %min3A_1057 : vector<16xi32> to vector<1x1x16xi32>
      tpu.vector_store %arg6[%swap3A_1060, %swap3A_1061, %swap3A_1062], %swap3A_1065 {strides = array<i32>} : memref<2x4x128xi32, #tpu.memory_space<vmem>>, vector<1x1x16xi32>,
      %get3A_1066 = arith.constant 1 : i32
      %get3A_1067 = arith.constant 0 : i32
      %get3A_1068 = arith.index_cast %get3A_1066 : i32 to index
      %get3A_1069 = arith.index_cast %get3A_1067 : i32 to index
      %get3A_1070 = arith.constant 96 : index
      %get3A_1071 = tpu.vector_load %arg6[%get3A_1068, %get3A_1069, %get3A_1070] {strides = array<i32>} : memref<2x4x128xi32, #tpu.memory_space<vmem>>, vector<1x1x16xi32>,
      %get3A_1072 = vector.shape_cast %get3A_1071 : vector<1x1x16xi32> to vector<16xi32>
      %max3A_1073 = arith.constant 0 : i32
      %max3A_1074 = vector.broadcast %max3A_1073 : i32 to vector<16xi32>
      %max3A_1075 = arith.maxsi %get3A_1072, %max3A_1074 : vector<16xi32>
      %min3A_1076 = arith.constant 69 : i32
      %min3A_1077 = vector.broadcast %min3A_1076 : i32 to vector<16xi32>
      %min3A_1078 = arith.minsi %max3A_1075, %min3A_1077 : vector<16xi32>
      %swap3A_1079 = arith.constant 1 : i32
      %swap3A_1080 = arith.constant 0 : i32
      %swap3A_1081 = arith.index_cast %swap3A_1079 : i32 to index
      %swap3A_1082 = arith.index_cast %swap3A_1080 : i32 to index
      %swap3A_1083 = arith.constant 96 : index
      %swap3A_1084 = tpu.vector_load %arg6[%swap3A_1081, %swap3A_1082, %swap3A_1083] {strides = array<i32>} : memref<2x4x128xi32, #tpu.memory_space<vmem>>, vector<1x1x16xi32>,
      %swap3A_1085 = vector.shape_cast %swap3A_1084 : vector<1x1x16xi32> to vector<16xi32>
      %swap3A_1086 = vector.shape_cast %min3A_1078 : vector<16xi32> to vector<1x1x16xi32>
      tpu.vector_store %arg6[%swap3A_1081, %swap3A_1082, %swap3A_1083], %swap3A_1086 {strides = array<i32>} : memref<2x4x128xi32, #tpu.memory_space<vmem>>, vector<1x1x16xi32>,
      %get3A_1087 = arith.constant 1 : i32
      %get3A_1088 = arith.constant 0 : i32
      %get3A_1089 = arith.index_cast %get3A_1087 : i32 to index
      %get3A_1090 = arith.index_cast %get3A_1088 : i32 to index
      %get3A_1091 = arith.constant 112 : index
      %get3A_1092 = tpu.vector_load %arg6[%get3A_1089, %get3A_1090, %get3A_1091] {strides = array<i32>} : memref<2x4x128xi32, #tpu.memory_space<vmem>>, vector<1x1x16xi32>,
      %get3A_1093 = vector.shape_cast %get3A_1092 : vector<1x1x16xi32> to vector<16xi32>
      %max3A_1094 = arith.constant 0 : i32
      %max3A_1095 = vector.broadcast %max3A_1094 : i32 to vector<16xi32>
      %max3A_1096 = arith.maxsi %get3A_1093, %max3A_1095 : vector<16xi32>
      %min3A_1097 = arith.constant 69 : i32
      %min3A_1098 = vector.broadcast %min3A_1097 : i32 to vector<16xi32>
      %min3A_1099 = arith.minsi %max3A_1096, %min3A_1098 : vector<16xi32>
      %swap3A_1100 = arith.constant 1 : i32
      %swap3A_1101 = arith.constant 0 : i32
      %swap3A_1102 = arith.index_cast %swap3A_1100 : i32 to index
      %swap3A_1103 = arith.index_cast %swap3A_1101 : i32 to index
      %swap3A_1104 = arith.constant 112 : index
      %swap3A_1105 = tpu.vector_load %arg6[%swap3A_1102, %swap3A_1103, %swap3A_1104] {strides = array<i32>} : memref<2x4x128xi32, #tpu.memory_space<vmem>>, vector<1x1x16xi32>,
      %swap3A_1106 = vector.shape_cast %swap3A_1105 : vector<1x1x16xi32> to vector<16xi32>
      %swap3A_1107 = vector.shape_cast %min3A_1099 : vector<16xi32> to vector<1x1x16xi32>
      tpu.vector_store %arg6[%swap3A_1102, %swap3A_1103, %swap3A_1104], %swap3A_1107 {strides = array<i32>} : memref<2x4x128xi32, #tpu.memory_space<vmem>>, vector<1x1x16xi32>,
      %get3A_1108 = arith.constant 1 : i32
      %get3A_1109 = arith.constant 1 : i32
      %get3A_1110 = arith.index_cast %get3A_1108 : i32 to index
      %get3A_1111 = arith.index_cast %get3A_1109 : i32 to index
      %get3A_1112 = arith.constant 0 : index
      %get3A_1113 = tpu.vector_load %arg6[%get3A_1110, %get3A_1111, %get3A_1112] {strides = array<i32>} : memref<2x4x128xi32, #tpu.memory_space<vmem>>, vector<1x1x16xi32>,
      %get3A_1114 = vector.shape_cast %get3A_1113 : vector<1x1x16xi32> to vector<16xi32>
      %max3A_1115 = arith.constant 0 : i32
      %max3A_1116 = vector.broadcast %max3A_1115 : i32 to vector<16xi32>
      %max3A_1117 = arith.maxsi %get3A_1114, %max3A_1116 : vector<16xi32>
      %min3A_1118 = arith.constant 69 : i32
      %min3A_1119 = vector.broadcast %min3A_1118 : i32 to vector<16xi32>
      %min3A_1120 = arith.minsi %max3A_1117, %min3A_1119 : vector<16xi32>
      %swap3A_1121 = arith.constant 1 : i32
      %swap3A_1122 = arith.constant 1 : i32
      %swap3A_1123 = arith.index_cast %swap3A_1121 : i32 to index
      %swap3A_1124 = arith.index_cast %swap3A_1122 : i32 to index
      %swap3A_1125 = arith.constant 0 : index
      %swap3A_1126 = tpu.vector_load %arg6[%swap3A_1123, %swap3A_1124, %swap3A_1125] {strides = array<i32>} : memref<2x4x128xi32, #tpu.memory_space<vmem>>, vector<1x1x16xi32>,
      %swap3A_1127 = vector.shape_cast %swap3A_1126 : vector<1x1x16xi32> to vector<16xi32>
      %swap3A_1128 = vector.shape_cast %min3A_1120 : vector<16xi32> to vector<1x1x16xi32>
      tpu.vector_store %arg6[%swap3A_1123, %swap3A_1124, %swap3A_1125], %swap3A_1128 {strides = array<i32>} : memref<2x4x128xi32, #tpu.memory_space<vmem>>, vector<1x1x16xi32>,
      %get3A_1129 = arith.constant 1 : i32
      %get3A_1130 = arith.constant 1 : i32
      %get3A_1131 = arith.index_cast %get3A_1129 : i32 to index
      %get3A_1132 = arith.index_cast %get3A_1130 : i32 to index
      %get3A_1133 = arith.constant 16 : index
      %get3A_1134 = tpu.vector_load %arg6[%get3A_1131, %get3A_1132, %get3A_1133] {strides = array<i32>} : memref<2x4x128xi32, #tpu.memory_space<vmem>>, vector<1x1x16xi32>,
      %get3A_1135 = vector.shape_cast %get3A_1134 : vector<1x1x16xi32> to vector<16xi32>
      %max3A_1136 = arith.constant 0 : i32
      %max3A_1137 = vector.broadcast %max3A_1136 : i32 to vector<16xi32>
      %max3A_1138 = arith.maxsi %get3A_1135, %max3A_1137 : vector<16xi32>
      %min3A_1139 = arith.constant 69 : i32
      %min3A_1140 = vector.broadcast %min3A_1139 : i32 to vector<16xi32>
      %min3A_1141 = arith.minsi %max3A_1138, %min3A_1140 : vector<16xi32>
      %swap3A_1142 = arith.constant 1 : i32
      %swap3A_1143 = arith.constant 1 : i32
      %swap3A_1144 = arith.index_cast %swap3A_1142 : i32 to index
      %swap3A_1145 = arith.index_cast %swap3A_1143 : i32 to index
      %swap3A_1146 = arith.constant 16 : index
      %swap3A_1147 = tpu.vector_load %arg6[%swap3A_1144, %swap3A_1145, %swap3A_1146] {strides = array<i32>} : memref<2x4x128xi32, #tpu.memory_space<vmem>>, vector<1x1x16xi32>,
      %swap3A_1148 = vector.shape_cast %swap3A_1147 : vector<1x1x16xi32> to vector<16xi32>
      %swap3A_1149 = vector.shape_cast %min3A_1141 : vector<16xi32> to vector<1x1x16xi32>
      tpu.vector_store %arg6[%swap3A_1144, %swap3A_1145, %swap3A_1146], %swap3A_1149 {strides = array<i32>} : memref<2x4x128xi32, #tpu.memory_space<vmem>>, vector<1x1x16xi32>,
      %get3A_1150 = arith.constant 1 : i32
      %get3A_1151 = arith.constant 1 : i32
      %get3A_1152 = arith.index_cast %get3A_1150 : i32 to index
      %get3A_1153 = arith.index_cast %get3A_1151 : i32 to index
      %get3A_1154 = arith.constant 32 : index
      %get3A_1155 = tpu.vector_load %arg6[%get3A_1152, %get3A_1153, %get3A_1154] {strides = array<i32>} : memref<2x4x128xi32, #tpu.memory_space<vmem>>, vector<1x1x16xi32>,
      %get3A_1156 = vector.shape_cast %get3A_1155 : vector<1x1x16xi32> to vector<16xi32>
      %max3A_1157 = arith.constant 0 : i32
      %max3A_1158 = vector.broadcast %max3A_1157 : i32 to vector<16xi32>
      %max3A_1159 = arith.maxsi %get3A_1156, %max3A_1158 : vector<16xi32>
      %min3A_1160 = arith.constant 69 : i32
      %min3A_1161 = vector.broadcast %min3A_1160 : i32 to vector<16xi32>
      %min3A_1162 = arith.minsi %max3A_1159, %min3A_1161 : vector<16xi32>
      %swap3A_1163 = arith.constant 1 : i32
      %swap3A_1164 = arith.constant 1 : i32
      %swap3A_1165 = arith.index_cast %swap3A_1163 : i32 to index
      %swap3A_1166 = arith.index_cast %swap3A_1164 : i32 to index
      %swap3A_1167 = arith.constant 32 : index
      %swap3A_1168 = tpu.vector_load %arg6[%swap3A_1165, %swap3A_1166, %swap3A_1167] {strides = array<i32>} : memref<2x4x128xi32, #tpu.memory_space<vmem>>, vector<1x1x16xi32>,
      %swap3A_1169 = vector.shape_cast %swap3A_1168 : vector<1x1x16xi32> to vector<16xi32>
      %swap3A_1170 = vector.shape_cast %min3A_1162 : vector<16xi32> to vector<1x1x16xi32>
      tpu.vector_store %arg6[%swap3A_1165, %swap3A_1166, %swap3A_1167], %swap3A_1170 {strides = array<i32>} : memref<2x4x128xi32, #tpu.memory_space<vmem>>, vector<1x1x16xi32>,
      %get3A_1171 = arith.constant 1 : i32
      %get3A_1172 = arith.constant 1 : i32
      %get3A_1173 = arith.index_cast %get3A_1171 : i32 to index
      %get3A_1174 = arith.index_cast %get3A_1172 : i32 to index
      %get3A_1175 = arith.constant 48 : index
      %get3A_1176 = tpu.vector_load %arg6[%get3A_1173, %get3A_1174, %get3A_1175] {strides = array<i32>} : memref<2x4x128xi32, #tpu.memory_space<vmem>>, vector<1x1x16xi32>,
      %get3A_1177 = vector.shape_cast %get3A_1176 : vector<1x1x16xi32> to vector<16xi32>
      %max3A_1178 = arith.constant 0 : i32
      %max3A_1179 = vector.broadcast %max3A_1178 : i32 to vector<16xi32>
      %max3A_1180 = arith.maxsi %get3A_1177, %max3A_1179 : vector<16xi32>
      %min3A_1181 = arith.constant 69 : i32
      %min3A_1182 = vector.broadcast %min3A_1181 : i32 to vector<16xi32>
      %min3A_1183 = arith.minsi %max3A_1180, %min3A_1182 : vector<16xi32>
      %swap3A_1184 = arith.constant 1 : i32
      %swap3A_1185 = arith.constant 1 : i32
      %swap3A_1186 = arith.index_cast %swap3A_1184 : i32 to index
      %swap3A_1187 = arith.index_cast %swap3A_1185 : i32 to index
      %swap3A_1188 = arith.constant 48 : index
      %swap3A_1189 = tpu.vector_load %arg6[%swap3A_1186, %swap3A_1187, %swap3A_1188] {strides = array<i32>} : memref<2x4x128xi32, #tpu.memory_space<vmem>>, vector<1x1x16xi32>,
      %swap3A_1190 = vector.shape_cast %swap3A_1189 : vector<1x1x16xi32> to vector<16xi32>
      %swap3A_1191 = vector.shape_cast %min3A_1183 : vector<16xi32> to vector<1x1x16xi32>
      tpu.vector_store %arg6[%swap3A_1186, %swap3A_1187, %swap3A_1188], %swap3A_1191 {strides = array<i32>} : memref<2x4x128xi32, #tpu.memory_space<vmem>>, vector<1x1x16xi32>,
      %get3A_1192 = arith.constant 1 : i32
      %get3A_1193 = arith.constant 1 : i32
      %get3A_1194 = arith.index_cast %get3A_1192 : i32 to index
      %get3A_1195 = arith.index_cast %get3A_1193 : i32 to index
      %get3A_1196 = arith.constant 64 : index
      %get3A_1197 = tpu.vector_load %arg6[%get3A_1194, %get3A_1195, %get3A_1196] {strides = array<i32>} : memref<2x4x128xi32, #tpu.memory_space<vmem>>, vector<1x1x16xi32>,
      %get3A_1198 = vector.shape_cast %get3A_1197 : vector<1x1x16xi32> to vector<16xi32>
      %max3A_1199 = arith.constant 0 : i32
      %max3A_1200 = vector.broadcast %max3A_1199 : i32 to vector<16xi32>
      %max3A_1201 = arith.maxsi %get3A_1198, %max3A_1200 : vector<16xi32>
      %min3A_1202 = arith.constant 69 : i32
      %min3A_1203 = vector.broadcast %min3A_1202 : i32 to vector<16xi32>
      %min3A_1204 = arith.minsi %max3A_1201, %min3A_1203 : vector<16xi32>
      %swap3A_1205 = arith.constant 1 : i32
      %swap3A_1206 = arith.constant 1 : i32
      %swap3A_1207 = arith.index_cast %swap3A_1205 : i32 to index
      %swap3A_1208 = arith.index_cast %swap3A_1206 : i32 to index
      %swap3A_1209 = arith.constant 64 : index
      %swap3A_1210 = tpu.vector_load %arg6[%swap3A_1207, %swap3A_1208, %swap3A_1209] {strides = array<i32>} : memref<2x4x128xi32, #tpu.memory_space<vmem>>, vector<1x1x16xi32>,
      %swap3A_1211 = vector.shape_cast %swap3A_1210 : vector<1x1x16xi32> to vector<16xi32>
      %swap3A_1212 = vector.shape_cast %min3A_1204 : vector<16xi32> to vector<1x1x16xi32>
      tpu.vector_store %arg6[%swap3A_1207, %swap3A_1208, %swap3A_1209], %swap3A_1212 {strides = array<i32>} : memref<2x4x128xi32, #tpu.memory_space<vmem>>, vector<1x1x16xi32>,
      %get3A_1213 = arith.constant 1 : i32
      %get3A_1214 = arith.constant 1 : i32
      %get3A_1215 = arith.index_cast %get3A_1213 : i32 to index
      %get3A_1216 = arith.index_cast %get3A_1214 : i32 to index
      %get3A_1217 = arith.constant 80 : index
      %get3A_1218 = tpu.vector_load %arg6[%get3A_1215, %get3A_1216, %get3A_1217] {strides = array<i32>} : memref<2x4x128xi32, #tpu.memory_space<vmem>>, vector<1x1x16xi32>,
      %get3A_1219 = vector.shape_cast %get3A_1218 : vector<1x1x16xi32> to vector<16xi32>
      %max3A_1220 = arith.constant 0 : i32
      %max3A_1221 = vector.broadcast %max3A_1220 : i32 to vector<16xi32>
      %max3A_1222 = arith.maxsi %get3A_1219, %max3A_1221 : vector<16xi32>
      %min3A_1223 = arith.constant 69 : i32
      %min3A_1224 = vector.broadcast %min3A_1223 : i32 to vector<16xi32>
      %min3A_1225 = arith.minsi %max3A_1222, %min3A_1224 : vector<16xi32>
      %swap3A_1226 = arith.constant 1 : i32
      %swap3A_1227 = arith.constant 1 : i32
      %swap3A_1228 = arith.index_cast %swap3A_1226 : i32 to index
      %swap3A_1229 = arith.index_cast %swap3A_1227 : i32 to index
      %swap3A_1230 = arith.constant 80 : index
      %swap3A_1231 = tpu.vector_load %arg6[%swap3A_1228, %swap3A_1229, %swap3A_1230] {strides = array<i32>} : memref<2x4x128xi32, #tpu.memory_space<vmem>>, vector<1x1x16xi32>,
      %swap3A_1232 = vector.shape_cast %swap3A_1231 : vector<1x1x16xi32> to vector<16xi32>
      %swap3A_1233 = vector.shape_cast %min3A_1225 : vector<16xi32> to vector<1x1x16xi32>
      tpu.vector_store %arg6[%swap3A_1228, %swap3A_1229, %swap3A_1230], %swap3A_1233 {strides = array<i32>} : memref<2x4x128xi32, #tpu.memory_space<vmem>>, vector<1x1x16xi32>,
      %get3A_1234 = arith.constant 1 : i32
      %get3A_1235 = arith.constant 1 : i32
      %get3A_1236 = arith.index_cast %get3A_1234 : i32 to index
      %get3A_1237 = arith.index_cast %get3A_1235 : i32 to index
      %get3A_1238 = arith.constant 96 : index
      %get3A_1239 = tpu.vector_load %arg6[%get3A_1236, %get3A_1237, %get3A_1238] {strides = array<i32>} : memref<2x4x128xi32, #tpu.memory_space<vmem>>, vector<1x1x16xi32>,
      %get3A_1240 = vector.shape_cast %get3A_1239 : vector<1x1x16xi32> to vector<16xi32>
      %max3A_1241 = arith.constant 0 : i32
      %max3A_1242 = vector.broadcast %max3A_1241 : i32 to vector<16xi32>
      %max3A_1243 = arith.maxsi %get3A_1240, %max3A_1242 : vector<16xi32>
      %min3A_1244 = arith.constant 69 : i32
      %min3A_1245 = vector.broadcast %min3A_1244 : i32 to vector<16xi32>
      %min3A_1246 = arith.minsi %max3A_1243, %min3A_1245 : vector<16xi32>
      %swap3A_1247 = arith.constant 1 : i32
      %swap3A_1248 = arith.constant 1 : i32
      %swap3A_1249 = arith.index_cast %swap3A_1247 : i32 to index
      %swap3A_1250 = arith.index_cast %swap3A_1248 : i32 to index
      %swap3A_1251 = arith.constant 96 : index
      %swap3A_1252 = tpu.vector_load %arg6[%swap3A_1249, %swap3A_1250, %swap3A_1251] {strides = array<i32>} : memref<2x4x128xi32, #tpu.memory_space<vmem>>, vector<1x1x16xi32>,
      %swap3A_1253 = vector.shape_cast %swap3A_1252 : vector<1x1x16xi32> to vector<16xi32>
      %swap3A_1254 = vector.shape_cast %min3A_1246 : vector<16xi32> to vector<1x1x16xi32>
      tpu.vector_store %arg6[%swap3A_1249, %swap3A_1250, %swap3A_1251], %swap3A_1254 {strides = array<i32>} : memref<2x4x128xi32, #tpu.memory_space<vmem>>, vector<1x1x16xi32>,
      %get3A_1255 = arith.constant 1 : i32
      %get3A_1256 = arith.constant 1 : i32
      %get3A_1257 = arith.index_cast %get3A_1255 : i32 to index
      %get3A_1258 = arith.index_cast %get3A_1256 : i32 to index
      %get3A_1259 = arith.constant 112 : index
      %get3A_1260 = tpu.vector_load %arg6[%get3A_1257, %get3A_1258, %get3A_1259] {strides = array<i32>} : memref<2x4x128xi32, #tpu.memory_space<vmem>>, vector<1x1x16xi32>,
      %get3A_1261 = vector.shape_cast %get3A_1260 : vector<1x1x16xi32> to vector<16xi32>
      %max3A_1262 = arith.constant 0 : i32
      %max3A_1263 = vector.broadcast %max3A_1262 : i32 to vector<16xi32>
      %max3A_1264 = arith.maxsi %get3A_1261, %max3A_1263 : vector<16xi32>
      %min3A_1265 = arith.constant 69 : i32
      %min3A_1266 = vector.broadcast %min3A_1265 : i32 to vector<16xi32>
      %min3A_1267 = arith.minsi %max3A_1264, %min3A_1266 : vector<16xi32>
      %swap3A_1268 = arith.constant 1 : i32
      %swap3A_1269 = arith.constant 1 : i32
      %swap3A_1270 = arith.index_cast %swap3A_1268 : i32 to index
      %swap3A_1271 = arith.index_cast %swap3A_1269 : i32 to index
      %swap3A_1272 = arith.constant 112 : index
      %swap3A_1273 = tpu.vector_load %arg6[%swap3A_1270, %swap3A_1271, %swap3A_1272] {strides = array<i32>} : memref<2x4x128xi32, #tpu.memory_space<vmem>>, vector<1x1x16xi32>,
      %swap3A_1274 = vector.shape_cast %swap3A_1273 : vector<1x1x16xi32> to vector<16xi32>
      %swap3A_1275 = vector.shape_cast %min3A_1267 : vector<16xi32> to vector<1x1x16xi32>
      tpu.vector_store %arg6[%swap3A_1270, %swap3A_1271, %swap3A_1272], %swap3A_1275 {strides = array<i32>} : memref<2x4x128xi32, #tpu.memory_space<vmem>>, vector<1x1x16xi32>,
      %get3A_1276 = arith.constant 1 : i32
      %get3A_1277 = arith.constant 2 : i32
      %get3A_1278 = arith.index_cast %get3A_1276 : i32 to index
      %get3A_1279 = arith.index_cast %get3A_1277 : i32 to index
      %get3A_1280 = arith.constant 0 : index
      %get3A_1281 = tpu.vector_load %arg6[%get3A_1278, %get3A_1279, %get3A_1280] {strides = array<i32>} : memref<2x4x128xi32, #tpu.memory_space<vmem>>, vector<1x1x16xi32>,
      %get3A_1282 = vector.shape_cast %get3A_1281 : vector<1x1x16xi32> to vector<16xi32>
      %max3A_1283 = arith.constant 0 : i32
      %max3A_1284 = vector.broadcast %max3A_1283 : i32 to vector<16xi32>
      %max3A_1285 = arith.maxsi %get3A_1282, %max3A_1284 : vector<16xi32>
      %min3A_1286 = arith.constant 69 : i32
      %min3A_1287 = vector.broadcast %min3A_1286 : i32 to vector<16xi32>
      %min3A_1288 = arith.minsi %max3A_1285, %min3A_1287 : vector<16xi32>
      %swap3A_1289 = arith.constant 1 : i32
      %swap3A_1290 = arith.constant 2 : i32
      %swap3A_1291 = arith.index_cast %swap3A_1289 : i32 to index
      %swap3A_1292 = arith.index_cast %swap3A_1290 : i32 to index
      %swap3A_1293 = arith.constant 0 : index
      %swap3A_1294 = tpu.vector_load %arg6[%swap3A_1291, %swap3A_1292, %swap3A_1293] {strides = array<i32>} : memref<2x4x128xi32, #tpu.memory_space<vmem>>, vector<1x1x16xi32>,
      %swap3A_1295 = vector.shape_cast %swap3A_1294 : vector<1x1x16xi32> to vector<16xi32>
      %swap3A_1296 = vector.shape_cast %min3A_1288 : vector<16xi32> to vector<1x1x16xi32>
      tpu.vector_store %arg6[%swap3A_1291, %swap3A_1292, %swap3A_1293], %swap3A_1296 {strides = array<i32>} : memref<2x4x128xi32, #tpu.memory_space<vmem>>, vector<1x1x16xi32>,
      %get3A_1297 = arith.constant 1 : i32
      %get3A_1298 = arith.constant 2 : i32
      %get3A_1299 = arith.index_cast %get3A_1297 : i32 to index
      %get3A_1300 = arith.index_cast %get3A_1298 : i32 to index
      %get3A_1301 = arith.constant 16 : index
      %get3A_1302 = tpu.vector_load %arg6[%get3A_1299, %get3A_1300, %get3A_1301] {strides = array<i32>} : memref<2x4x128xi32, #tpu.memory_space<vmem>>, vector<1x1x16xi32>,
      %get3A_1303 = vector.shape_cast %get3A_1302 : vector<1x1x16xi32> to vector<16xi32>
      %max3A_1304 = arith.constant 0 : i32
      %max3A_1305 = vector.broadcast %max3A_1304 : i32 to vector<16xi32>
      %max3A_1306 = arith.maxsi %get3A_1303, %max3A_1305 : vector<16xi32>
      %min3A_1307 = arith.constant 69 : i32
      %min3A_1308 = vector.broadcast %min3A_1307 : i32 to vector<16xi32>
      %min3A_1309 = arith.minsi %max3A_1306, %min3A_1308 : vector<16xi32>
      %swap3A_1310 = arith.constant 1 : i32
      %swap3A_1311 = arith.constant 2 : i32
      %swap3A_1312 = arith.index_cast %swap3A_1310 : i32 to index
      %swap3A_1313 = arith.index_cast %swap3A_1311 : i32 to index
      %swap3A_1314 = arith.constant 16 : index
      %swap3A_1315 = tpu.vector_load %arg6[%swap3A_1312, %swap3A_1313, %swap3A_1314] {strides = array<i32>} : memref<2x4x128xi32, #tpu.memory_space<vmem>>, vector<1x1x16xi32>,
      %swap3A_1316 = vector.shape_cast %swap3A_1315 : vector<1x1x16xi32> to vector<16xi32>
      %swap3A_1317 = vector.shape_cast %min3A_1309 : vector<16xi32> to vector<1x1x16xi32>
      tpu.vector_store %arg6[%swap3A_1312, %swap3A_1313, %swap3A_1314], %swap3A_1317 {strides = array<i32>} : memref<2x4x128xi32, #tpu.memory_space<vmem>>, vector<1x1x16xi32>,
      %get3A_1318 = arith.constant 1 : i32
      %get3A_1319 = arith.constant 2 : i32
      %get3A_1320 = arith.index_cast %get3A_1318 : i32 to index
      %get3A_1321 = arith.index_cast %get3A_1319 : i32 to index
      %get3A_1322 = arith.constant 32 : index
      %get3A_1323 = tpu.vector_load %arg6[%get3A_1320, %get3A_1321, %get3A_1322] {strides = array<i32>} : memref<2x4x128xi32, #tpu.memory_space<vmem>>, vector<1x1x16xi32>,
      %get3A_1324 = vector.shape_cast %get3A_1323 : vector<1x1x16xi32> to vector<16xi32>
      %max3A_1325 = arith.constant 0 : i32
      %max3A_1326 = vector.broadcast %max3A_1325 : i32 to vector<16xi32>
      %max3A_1327 = arith.maxsi %get3A_1324, %max3A_1326 : vector<16xi32>
      %min3A_1328 = arith.constant 69 : i32
      %min3A_1329 = vector.broadcast %min3A_1328 : i32 to vector<16xi32>
      %min3A_1330 = arith.minsi %max3A_1327, %min3A_1329 : vector<16xi32>
      %swap3A_1331 = arith.constant 1 : i32
      %swap3A_1332 = arith.constant 2 : i32
      %swap3A_1333 = arith.index_cast %swap3A_1331 : i32 to index
      %swap3A_1334 = arith.index_cast %swap3A_1332 : i32 to index
      %swap3A_1335 = arith.constant 32 : index
      %swap3A_1336 = tpu.vector_load %arg6[%swap3A_1333, %swap3A_1334, %swap3A_1335] {strides = array<i32>} : memref<2x4x128xi32, #tpu.memory_space<vmem>>, vector<1x1x16xi32>,
      %swap3A_1337 = vector.shape_cast %swap3A_1336 : vector<1x1x16xi32> to vector<16xi32>
      %swap3A_1338 = vector.shape_cast %min3A_1330 : vector<16xi32> to vector<1x1x16xi32>
      tpu.vector_store %arg6[%swap3A_1333, %swap3A_1334, %swap3A_1335], %swap3A_1338 {strides = array<i32>} : memref<2x4x128xi32, #tpu.memory_space<vmem>>, vector<1x1x16xi32>,
      %get3A_1339 = arith.constant 1 : i32
      %get3A_1340 = arith.constant 2 : i32
      %get3A_1341 = arith.index_cast %get3A_1339 : i32 to index
      %get3A_1342 = arith.index_cast %get3A_1340 : i32 to index
      %get3A_1343 = arith.constant 48 : index
      %get3A_1344 = tpu.vector_load %arg6[%get3A_1341, %get3A_1342, %get3A_1343] {strides = array<i32>} : memref<2x4x128xi32, #tpu.memory_space<vmem>>, vector<1x1x16xi32>,
      %get3A_1345 = vector.shape_cast %get3A_1344 : vector<1x1x16xi32> to vector<16xi32>
      %max3A_1346 = arith.constant 0 : i32
      %max3A_1347 = vector.broadcast %max3A_1346 : i32 to vector<16xi32>
      %max3A_1348 = arith.maxsi %get3A_1345, %max3A_1347 : vector<16xi32>
      %min3A_1349 = arith.constant 69 : i32
      %min3A_1350 = vector.broadcast %min3A_1349 : i32 to vector<16xi32>
      %min3A_1351 = arith.minsi %max3A_1348, %min3A_1350 : vector<16xi32>
      %swap3A_1352 = arith.constant 1 : i32
      %swap3A_1353 = arith.constant 2 : i32
      %swap3A_1354 = arith.index_cast %swap3A_1352 : i32 to index
      %swap3A_1355 = arith.index_cast %swap3A_1353 : i32 to index
      %swap3A_1356 = arith.constant 48 : index
      %swap3A_1357 = tpu.vector_load %arg6[%swap3A_1354, %swap3A_1355, %swap3A_1356] {strides = array<i32>} : memref<2x4x128xi32, #tpu.memory_space<vmem>>, vector<1x1x16xi32>,
      %swap3A_1358 = vector.shape_cast %swap3A_1357 : vector<1x1x16xi32> to vector<16xi32>
      %swap3A_1359 = vector.shape_cast %min3A_1351 : vector<16xi32> to vector<1x1x16xi32>
      tpu.vector_store %arg6[%swap3A_1354, %swap3A_1355, %swap3A_1356], %swap3A_1359 {strides = array<i32>} : memref<2x4x128xi32, #tpu.memory_space<vmem>>, vector<1x1x16xi32>,
      %get3A_1360 = arith.constant 1 : i32
      %get3A_1361 = arith.constant 2 : i32
      %get3A_1362 = arith.index_cast %get3A_1360 : i32 to index
      %get3A_1363 = arith.index_cast %get3A_1361 : i32 to index
      %get3A_1364 = arith.constant 64 : index
      %get3A_1365 = tpu.vector_load %arg6[%get3A_1362, %get3A_1363, %get3A_1364] {strides = array<i32>} : memref<2x4x128xi32, #tpu.memory_space<vmem>>, vector<1x1x16xi32>,
      %get3A_1366 = vector.shape_cast %get3A_1365 : vector<1x1x16xi32> to vector<16xi32>
      %max3A_1367 = arith.constant 0 : i32
      %max3A_1368 = vector.broadcast %max3A_1367 : i32 to vector<16xi32>
      %max3A_1369 = arith.maxsi %get3A_1366, %max3A_1368 : vector<16xi32>
      %min3A_1370 = arith.constant 69 : i32
      %min3A_1371 = vector.broadcast %min3A_1370 : i32 to vector<16xi32>
      %min3A_1372 = arith.minsi %max3A_1369, %min3A_1371 : vector<16xi32>
      %swap3A_1373 = arith.constant 1 : i32
      %swap3A_1374 = arith.constant 2 : i32
      %swap3A_1375 = arith.index_cast %swap3A_1373 : i32 to index
      %swap3A_1376 = arith.index_cast %swap3A_1374 : i32 to index
      %swap3A_1377 = arith.constant 64 : index
      %swap3A_1378 = tpu.vector_load %arg6[%swap3A_1375, %swap3A_1376, %swap3A_1377] {strides = array<i32>} : memref<2x4x128xi32, #tpu.memory_space<vmem>>, vector<1x1x16xi32>,
      %swap3A_1379 = vector.shape_cast %swap3A_1378 : vector<1x1x16xi32> to vector<16xi32>
      %swap3A_1380 = vector.shape_cast %min3A_1372 : vector<16xi32> to vector<1x1x16xi32>
      tpu.vector_store %arg6[%swap3A_1375, %swap3A_1376, %swap3A_1377], %swap3A_1380 {strides = array<i32>} : memref<2x4x128xi32, #tpu.memory_space<vmem>>, vector<1x1x16xi32>,
      %get3A_1381 = arith.constant 1 : i32
      %get3A_1382 = arith.constant 2 : i32
      %get3A_1383 = arith.index_cast %get3A_1381 : i32 to index
      %get3A_1384 = arith.index_cast %get3A_1382 : i32 to index
      %get3A_1385 = arith.constant 80 : index
      %get3A_1386 = tpu.vector_load %arg6[%get3A_1383, %get3A_1384, %get3A_1385] {strides = array<i32>} : memref<2x4x128xi32, #tpu.memory_space<vmem>>, vector<1x1x16xi32>,
      %get3A_1387 = vector.shape_cast %get3A_1386 : vector<1x1x16xi32> to vector<16xi32>
      %max3A_1388 = arith.constant 0 : i32
      %max3A_1389 = vector.broadcast %max3A_1388 : i32 to vector<16xi32>
      %max3A_1390 = arith.maxsi %get3A_1387, %max3A_1389 : vector<16xi32>
      %min3A_1391 = arith.constant 69 : i32
      %min3A_1392 = vector.broadcast %min3A_1391 : i32 to vector<16xi32>
      %min3A_1393 = arith.minsi %max3A_1390, %min3A_1392 : vector<16xi32>
      %swap3A_1394 = arith.constant 1 : i32
      %swap3A_1395 = arith.constant 2 : i32
      %swap3A_1396 = arith.index_cast %swap3A_1394 : i32 to index
      %swap3A_1397 = arith.index_cast %swap3A_1395 : i32 to index
      %swap3A_1398 = arith.constant 80 : index
      %swap3A_1399 = tpu.vector_load %arg6[%swap3A_1396, %swap3A_1397, %swap3A_1398] {strides = array<i32>} : memref<2x4x128xi32, #tpu.memory_space<vmem>>, vector<1x1x16xi32>,
      %swap3A_1400 = vector.shape_cast %swap3A_1399 : vector<1x1x16xi32> to vector<16xi32>
      %swap3A_1401 = vector.shape_cast %min3A_1393 : vector<16xi32> to vector<1x1x16xi32>
      tpu.vector_store %arg6[%swap3A_1396, %swap3A_1397, %swap3A_1398], %swap3A_1401 {strides = array<i32>} : memref<2x4x128xi32, #tpu.memory_space<vmem>>, vector<1x1x16xi32>,
      %get3A_1402 = arith.constant 1 : i32
      %get3A_1403 = arith.constant 2 : i32
      %get3A_1404 = arith.index_cast %get3A_1402 : i32 to index
      %get3A_1405 = arith.index_cast %get3A_1403 : i32 to index
      %get3A_1406 = arith.constant 96 : index
      %get3A_1407 = tpu.vector_load %arg6[%get3A_1404, %get3A_1405, %get3A_1406] {strides = array<i32>} : memref<2x4x128xi32, #tpu.memory_space<vmem>>, vector<1x1x16xi32>,
      %get3A_1408 = vector.shape_cast %get3A_1407 : vector<1x1x16xi32> to vector<16xi32>
      %max3A_1409 = arith.constant 0 : i32
      %max3A_1410 = vector.broadcast %max3A_1409 : i32 to vector<16xi32>
      %max3A_1411 = arith.maxsi %get3A_1408, %max3A_1410 : vector<16xi32>
      %min3A_1412 = arith.constant 69 : i32
      %min3A_1413 = vector.broadcast %min3A_1412 : i32 to vector<16xi32>
      %min3A_1414 = arith.minsi %max3A_1411, %min3A_1413 : vector<16xi32>
      %swap3A_1415 = arith.constant 1 : i32
      %swap3A_1416 = arith.constant 2 : i32
      %swap3A_1417 = arith.index_cast %swap3A_1415 : i32 to index
      %swap3A_1418 = arith.index_cast %swap3A_1416 : i32 to index
      %swap3A_1419 = arith.constant 96 : index
      %swap3A_1420 = tpu.vector_load %arg6[%swap3A_1417, %swap3A_1418, %swap3A_1419] {strides = array<i32>} : memref<2x4x128xi32, #tpu.memory_space<vmem>>, vector<1x1x16xi32>,
      %swap3A_1421 = vector.shape_cast %swap3A_1420 : vector<1x1x16xi32> to vector<16xi32>
      %swap3A_1422 = vector.shape_cast %min3A_1414 : vector<16xi32> to vector<1x1x16xi32>
      tpu.vector_store %arg6[%swap3A_1417, %swap3A_1418, %swap3A_1419], %swap3A_1422 {strides = array<i32>} : memref<2x4x128xi32, #tpu.memory_space<vmem>>, vector<1x1x16xi32>,
      %get3A_1423 = arith.constant 1 : i32
      %get3A_1424 = arith.constant 2 : i32
      %get3A_1425 = arith.index_cast %get3A_1423 : i32 to index
      %get3A_1426 = arith.index_cast %get3A_1424 : i32 to index
      %get3A_1427 = arith.constant 112 : index
      %get3A_1428 = tpu.vector_load %arg6[%get3A_1425, %get3A_1426, %get3A_1427] {strides = array<i32>} : memref<2x4x128xi32, #tpu.memory_space<vmem>>, vector<1x1x16xi32>,
      %get3A_1429 = vector.shape_cast %get3A_1428 : vector<1x1x16xi32> to vector<16xi32>
      %max3A_1430 = arith.constant 0 : i32
      %max3A_1431 = vector.broadcast %max3A_1430 : i32 to vector<16xi32>
      %max3A_1432 = arith.maxsi %get3A_1429, %max3A_1431 : vector<16xi32>
      %min3A_1433 = arith.constant 69 : i32
      %min3A_1434 = vector.broadcast %min3A_1433 : i32 to vector<16xi32>
      %min3A_1435 = arith.minsi %max3A_1432, %min3A_1434 : vector<16xi32>
      %swap3A_1436 = arith.constant 1 : i32
      %swap3A_1437 = arith.constant 2 : i32
      %swap3A_1438 = arith.index_cast %swap3A_1436 : i32 to index
      %swap3A_1439 = arith.index_cast %swap3A_1437 : i32 to index
      %swap3A_1440 = arith.constant 112 : index
      %swap3A_1441 = tpu.vector_load %arg6[%swap3A_1438, %swap3A_1439, %swap3A_1440] {strides = array<i32>} : memref<2x4x128xi32, #tpu.memory_space<vmem>>, vector<1x1x16xi32>,
      %swap3A_1442 = vector.shape_cast %swap3A_1441 : vector<1x1x16xi32> to vector<16xi32>
      %swap3A_1443 = vector.shape_cast %min3A_1435 : vector<16xi32> to vector<1x1x16xi32>
      tpu.vector_store %arg6[%swap3A_1438, %swap3A_1439, %swap3A_1440], %swap3A_1443 {strides = array<i32>} : memref<2x4x128xi32, #tpu.memory_space<vmem>>, vector<1x1x16xi32>,
      %get3A_1444 = arith.constant 1 : i32
      %get3A_1445 = arith.constant 3 : i32
      %get3A_1446 = arith.index_cast %get3A_1444 : i32 to index
      %get3A_1447 = arith.index_cast %get3A_1445 : i32 to index
      %get3A_1448 = arith.constant 0 : index
      %get3A_1449 = tpu.vector_load %arg6[%get3A_1446, %get3A_1447, %get3A_1448] {strides = array<i32>} : memref<2x4x128xi32, #tpu.memory_space<vmem>>, vector<1x1x16xi32>,
      %get3A_1450 = vector.shape_cast %get3A_1449 : vector<1x1x16xi32> to vector<16xi32>
      %max3A_1451 = arith.constant 0 : i32
      %max3A_1452 = vector.broadcast %max3A_1451 : i32 to vector<16xi32>
      %max3A_1453 = arith.maxsi %get3A_1450, %max3A_1452 : vector<16xi32>
      %min3A_1454 = arith.constant 69 : i32
      %min3A_1455 = vector.broadcast %min3A_1454 : i32 to vector<16xi32>
      %min3A_1456 = arith.minsi %max3A_1453, %min3A_1455 : vector<16xi32>
      %swap3A_1457 = arith.constant 1 : i32
      %swap3A_1458 = arith.constant 3 : i32
      %swap3A_1459 = arith.index_cast %swap3A_1457 : i32 to index
      %swap3A_1460 = arith.index_cast %swap3A_1458 : i32 to index
      %swap3A_1461 = arith.constant 0 : index
      %swap3A_1462 = tpu.vector_load %arg6[%swap3A_1459, %swap3A_1460, %swap3A_1461] {strides = array<i32>} : memref<2x4x128xi32, #tpu.memory_space<vmem>>, vector<1x1x16xi32>,
      %swap3A_1463 = vector.shape_cast %swap3A_1462 : vector<1x1x16xi32> to vector<16xi32>
      %swap3A_1464 = vector.shape_cast %min3A_1456 : vector<16xi32> to vector<1x1x16xi32>
      tpu.vector_store %arg6[%swap3A_1459, %swap3A_1460, %swap3A_1461], %swap3A_1464 {strides = array<i32>} : memref<2x4x128xi32, #tpu.memory_space<vmem>>, vector<1x1x16xi32>,
      %get3A_1465 = arith.constant 1 : i32
      %get3A_1466 = arith.constant 3 : i32
      %get3A_1467 = arith.index_cast %get3A_1465 : i32 to index
      %get3A_1468 = arith.index_cast %get3A_1466 : i32 to index
      %get3A_1469 = arith.constant 16 : index
      %get3A_1470 = tpu.vector_load %arg6[%get3A_1467, %get3A_1468, %get3A_1469] {strides = array<i32>} : memref<2x4x128xi32, #tpu.memory_space<vmem>>, vector<1x1x16xi32>,
      %get3A_1471 = vector.shape_cast %get3A_1470 : vector<1x1x16xi32> to vector<16xi32>
      %max3A_1472 = arith.constant 0 : i32
      %max3A_1473 = vector.broadcast %max3A_1472 : i32 to vector<16xi32>
      %max3A_1474 = arith.maxsi %get3A_1471, %max3A_1473 : vector<16xi32>
      %min3A_1475 = arith.constant 69 : i32
      %min3A_1476 = vector.broadcast %min3A_1475 : i32 to vector<16xi32>
      %min3A_1477 = arith.minsi %max3A_1474, %min3A_1476 : vector<16xi32>
      %swap3A_1478 = arith.constant 1 : i32
      %swap3A_1479 = arith.constant 3 : i32
      %swap3A_1480 = arith.index_cast %swap3A_1478 : i32 to index
      %swap3A_1481 = arith.index_cast %swap3A_1479 : i32 to index
      %swap3A_1482 = arith.constant 16 : index
      %swap3A_1483 = tpu.vector_load %arg6[%swap3A_1480, %swap3A_1481, %swap3A_1482] {strides = array<i32>} : memref<2x4x128xi32, #tpu.memory_space<vmem>>, vector<1x1x16xi32>,
      %swap3A_1484 = vector.shape_cast %swap3A_1483 : vector<1x1x16xi32> to vector<16xi32>
      %swap3A_1485 = vector.shape_cast %min3A_1477 : vector<16xi32> to vector<1x1x16xi32>
      tpu.vector_store %arg6[%swap3A_1480, %swap3A_1481, %swap3A_1482], %swap3A_1485 {strides = array<i32>} : memref<2x4x128xi32, #tpu.memory_space<vmem>>, vector<1x1x16xi32>,
      %get3A_1486 = arith.constant 1 : i32
      %get3A_1487 = arith.constant 3 : i32
      %get3A_1488 = arith.index_cast %get3A_1486 : i32 to index
      %get3A_1489 = arith.index_cast %get3A_1487 : i32 to index
      %get3A_1490 = arith.constant 32 : index
      %get3A_1491 = tpu.vector_load %arg6[%get3A_1488, %get3A_1489, %get3A_1490] {strides = array<i32>} : memref<2x4x128xi32, #tpu.memory_space<vmem>>, vector<1x1x16xi32>,
      %get3A_1492 = vector.shape_cast %get3A_1491 : vector<1x1x16xi32> to vector<16xi32>
      %max3A_1493 = arith.constant 0 : i32
      %max3A_1494 = vector.broadcast %max3A_1493 : i32 to vector<16xi32>
      %max3A_1495 = arith.maxsi %get3A_1492, %max3A_1494 : vector<16xi32>
      %min3A_1496 = arith.constant 69 : i32
      %min3A_1497 = vector.broadcast %min3A_1496 : i32 to vector<16xi32>
      %min3A_1498 = arith.minsi %max3A_1495, %min3A_1497 : vector<16xi32>
      %swap3A_1499 = arith.constant 1 : i32
      %swap3A_1500 = arith.constant 3 : i32
      %swap3A_1501 = arith.index_cast %swap3A_1499 : i32 to index
      %swap3A_1502 = arith.index_cast %swap3A_1500 : i32 to index
      %swap3A_1503 = arith.constant 32 : index
      %swap3A_1504 = tpu.vector_load %arg6[%swap3A_1501, %swap3A_1502, %swap3A_1503] {strides = array<i32>} : memref<2x4x128xi32, #tpu.memory_space<vmem>>, vector<1x1x16xi32>,
      %swap3A_1505 = vector.shape_cast %swap3A_1504 : vector<1x1x16xi32> to vector<16xi32>
      %swap3A_1506 = vector.shape_cast %min3A_1498 : vector<16xi32> to vector<1x1x16xi32>
      tpu.vector_store %arg6[%swap3A_1501, %swap3A_1502, %swap3A_1503], %swap3A_1506 {strides = array<i32>} : memref<2x4x128xi32, #tpu.memory_space<vmem>>, vector<1x1x16xi32>,
      %get3A_1507 = arith.constant 1 : i32
      %get3A_1508 = arith.constant 3 : i32
      %get3A_1509 = arith.index_cast %get3A_1507 : i32 to index
      %get3A_1510 = arith.index_cast %get3A_1508 : i32 to index
      %get3A_1511 = arith.constant 48 : index
      %get3A_1512 = tpu.vector_load %arg6[%get3A_1509, %get3A_1510, %get3A_1511] {strides = array<i32>} : memref<2x4x128xi32, #tpu.memory_space<vmem>>, vector<1x1x16xi32>,
      %get3A_1513 = vector.shape_cast %get3A_1512 : vector<1x1x16xi32> to vector<16xi32>
      %max3A_1514 = arith.constant 0 : i32
      %max3A_1515 = vector.broadcast %max3A_1514 : i32 to vector<16xi32>
      %max3A_1516 = arith.maxsi %get3A_1513, %max3A_1515 : vector<16xi32>
      %min3A_1517 = arith.constant 69 : i32
      %min3A_1518 = vector.broadcast %min3A_1517 : i32 to vector<16xi32>
      %min3A_1519 = arith.minsi %max3A_1516, %min3A_1518 : vector<16xi32>
      %swap3A_1520 = arith.constant 1 : i32
      %swap3A_1521 = arith.constant 3 : i32
      %swap3A_1522 = arith.index_cast %swap3A_1520 : i32 to index
      %swap3A_1523 = arith.index_cast %swap3A_1521 : i32 to index
      %swap3A_1524 = arith.constant 48 : index
      %swap3A_1525 = tpu.vector_load %arg6[%swap3A_1522, %swap3A_1523, %swap3A_1524] {strides = array<i32>} : memref<2x4x128xi32, #tpu.memory_space<vmem>>, vector<1x1x16xi32>,
      %swap3A_1526 = vector.shape_cast %swap3A_1525 : vector<1x1x16xi32> to vector<16xi32>
      %swap3A_1527 = vector.shape_cast %min3A_1519 : vector<16xi32> to vector<1x1x16xi32>
      tpu.vector_store %arg6[%swap3A_1522, %swap3A_1523, %swap3A_1524], %swap3A_1527 {strides = array<i32>} : memref<2x4x128xi32, #tpu.memory_space<vmem>>, vector<1x1x16xi32>,
      %get3A_1528 = arith.constant 1 : i32
      %get3A_1529 = arith.constant 3 : i32
      %get3A_1530 = arith.index_cast %get3A_1528 : i32 to index
      %get3A_1531 = arith.index_cast %get3A_1529 : i32 to index
      %get3A_1532 = arith.constant 64 : index
      %get3A_1533 = tpu.vector_load %arg6[%get3A_1530, %get3A_1531, %get3A_1532] {strides = array<i32>} : memref<2x4x128xi32, #tpu.memory_space<vmem>>, vector<1x1x16xi32>,
      %get3A_1534 = vector.shape_cast %get3A_1533 : vector<1x1x16xi32> to vector<16xi32>
      %max3A_1535 = arith.constant 0 : i32
      %max3A_1536 = vector.broadcast %max3A_1535 : i32 to vector<16xi32>
      %max3A_1537 = arith.maxsi %get3A_1534, %max3A_1536 : vector<16xi32>
      %min3A_1538 = arith.constant 69 : i32
      %min3A_1539 = vector.broadcast %min3A_1538 : i32 to vector<16xi32>
      %min3A_1540 = arith.minsi %max3A_1537, %min3A_1539 : vector<16xi32>
      %swap3A_1541 = arith.constant 1 : i32
      %swap3A_1542 = arith.constant 3 : i32
      %swap3A_1543 = arith.index_cast %swap3A_1541 : i32 to index
      %swap3A_1544 = arith.index_cast %swap3A_1542 : i32 to index
      %swap3A_1545 = arith.constant 64 : index
      %swap3A_1546 = tpu.vector_load %arg6[%swap3A_1543, %swap3A_1544, %swap3A_1545] {strides = array<i32>} : memref<2x4x128xi32, #tpu.memory_space<vmem>>, vector<1x1x16xi32>,
      %swap3A_1547 = vector.shape_cast %swap3A_1546 : vector<1x1x16xi32> to vector<16xi32>
      %swap3A_1548 = vector.shape_cast %min3A_1540 : vector<16xi32> to vector<1x1x16xi32>
      tpu.vector_store %arg6[%swap3A_1543, %swap3A_1544, %swap3A_1545], %swap3A_1548 {strides = array<i32>} : memref<2x4x128xi32, #tpu.memory_space<vmem>>, vector<1x1x16xi32>,
      %get3A_1549 = arith.constant 1 : i32
      %get3A_1550 = arith.constant 3 : i32
      %get3A_1551 = arith.index_cast %get3A_1549 : i32 to index
      %get3A_1552 = arith.index_cast %get3A_1550 : i32 to index
      %get3A_1553 = arith.constant 80 : index
      %get3A_1554 = tpu.vector_load %arg6[%get3A_1551, %get3A_1552, %get3A_1553] {strides = array<i32>} : memref<2x4x128xi32, #tpu.memory_space<vmem>>, vector<1x1x16xi32>,
      %get3A_1555 = vector.shape_cast %get3A_1554 : vector<1x1x16xi32> to vector<16xi32>
      %max3A_1556 = arith.constant 0 : i32
      %max3A_1557 = vector.broadcast %max3A_1556 : i32 to vector<16xi32>
      %max3A_1558 = arith.maxsi %get3A_1555, %max3A_1557 : vector<16xi32>
      %min3A_1559 = arith.constant 69 : i32
      %min3A_1560 = vector.broadcast %min3A_1559 : i32 to vector<16xi32>
      %min3A_1561 = arith.minsi %max3A_1558, %min3A_1560 : vector<16xi32>
      %swap3A_1562 = arith.constant 1 : i32
      %swap3A_1563 = arith.constant 3 : i32
      %swap3A_1564 = arith.index_cast %swap3A_1562 : i32 to index
      %swap3A_1565 = arith.index_cast %swap3A_1563 : i32 to index
      %swap3A_1566 = arith.constant 80 : index
      %swap3A_1567 = tpu.vector_load %arg6[%swap3A_1564, %swap3A_1565, %swap3A_1566] {strides = array<i32>} : memref<2x4x128xi32, #tpu.memory_space<vmem>>, vector<1x1x16xi32>,
      %swap3A_1568 = vector.shape_cast %swap3A_1567 : vector<1x1x16xi32> to vector<16xi32>
      %swap3A_1569 = vector.shape_cast %min3A_1561 : vector<16xi32> to vector<1x1x16xi32>
      tpu.vector_store %arg6[%swap3A_1564, %swap3A_1565, %swap3A_1566], %swap3A_1569 {strides = array<i32>} : memref<2x4x128xi32, #tpu.memory_space<vmem>>, vector<1x1x16xi32>,
      %get3A_1570 = arith.constant 1 : i32
      %get3A_1571 = arith.constant 3 : i32
      %get3A_1572 = arith.index_cast %get3A_1570 : i32 to index
      %get3A_1573 = arith.index_cast %get3A_1571 : i32 to index
      %get3A_1574 = arith.constant 96 : index
      %get3A_1575 = tpu.vector_load %arg6[%get3A_1572, %get3A_1573, %get3A_1574] {strides = array<i32>} : memref<2x4x128xi32, #tpu.memory_space<vmem>>, vector<1x1x16xi32>,
      %get3A_1576 = vector.shape_cast %get3A_1575 : vector<1x1x16xi32> to vector<16xi32>
      %max3A_1577 = arith.constant 0 : i32
      %max3A_1578 = vector.broadcast %max3A_1577 : i32 to vector<16xi32>
      %max3A_1579 = arith.maxsi %get3A_1576, %max3A_1578 : vector<16xi32>
      %min3A_1580 = arith.constant 69 : i32
      %min3A_1581 = vector.broadcast %min3A_1580 : i32 to vector<16xi32>
      %min3A_1582 = arith.minsi %max3A_1579, %min3A_1581 : vector<16xi32>
      %swap3A_1583 = arith.constant 1 : i32
      %swap3A_1584 = arith.constant 3 : i32
      %swap3A_1585 = arith.index_cast %swap3A_1583 : i32 to index
      %swap3A_1586 = arith.index_cast %swap3A_1584 : i32 to index
      %swap3A_1587 = arith.constant 96 : index
      %swap3A_1588 = tpu.vector_load %arg6[%swap3A_1585, %swap3A_1586, %swap3A_1587] {strides = array<i32>} : memref<2x4x128xi32, #tpu.memory_space<vmem>>, vector<1x1x16xi32>,
      %swap3A_1589 = vector.shape_cast %swap3A_1588 : vector<1x1x16xi32> to vector<16xi32>
      %swap3A_1590 = vector.shape_cast %min3A_1582 : vector<16xi32> to vector<1x1x16xi32>
      tpu.vector_store %arg6[%swap3A_1585, %swap3A_1586, %swap3A_1587], %swap3A_1590 {strides = array<i32>} : memref<2x4x128xi32, #tpu.memory_space<vmem>>, vector<1x1x16xi32>,
      %get3A_1591 = arith.constant 1 : i32
      %get3A_1592 = arith.constant 3 : i32
      %get3A_1593 = arith.index_cast %get3A_1591 : i32 to index
      %get3A_1594 = arith.index_cast %get3A_1592 : i32 to index
      %get3A_1595 = arith.constant 112 : index
      %get3A_1596 = tpu.vector_load %arg6[%get3A_1593, %get3A_1594, %get3A_1595] {strides = array<i32>} : memref<2x4x128xi32, #tpu.memory_space<vmem>>, vector<1x1x16xi32>,
      %get3A_1597 = vector.shape_cast %get3A_1596 : vector<1x1x16xi32> to vector<16xi32>
      %max3A_1598 = arith.constant 0 : i32
      %max3A_1599 = vector.broadcast %max3A_1598 : i32 to vector<16xi32>
      %max3A_1600 = arith.maxsi %get3A_1597, %max3A_1599 : vector<16xi32>
      %min3A_1601 = arith.constant 69 : i32
      %min3A_1602 = vector.broadcast %min3A_1601 : i32 to vector<16xi32>
      %min3A_1603 = arith.minsi %max3A_1600, %min3A_1602 : vector<16xi32>
      %swap3A_1604 = arith.constant 1 : i32
      %swap3A_1605 = arith.constant 3 : i32
      %swap3A_1606 = arith.index_cast %swap3A_1604 : i32 to index
      %swap3A_1607 = arith.index_cast %swap3A_1605 : i32 to index
      %swap3A_1608 = arith.constant 112 : index
      %swap3A_1609 = tpu.vector_load %arg6[%swap3A_1606, %swap3A_1607, %swap3A_1608] {strides = array<i32>} : memref<2x4x128xi32, #tpu.memory_space<vmem>>, vector<1x1x16xi32>,
      %swap3A_1610 = vector.shape_cast %swap3A_1609 : vector<1x1x16xi32> to vector<16xi32>
      %swap3A_1611 = vector.shape_cast %min3A_1603 : vector<16xi32> to vector<1x1x16xi32>
      tpu.vector_store %arg6[%swap3A_1606, %swap3A_1607, %swap3A_1608], %swap3A_1611 {strides = array<i32>} : memref<2x4x128xi32, #tpu.memory_space<vmem>>, vector<1x1x16xi32>,
      %mul3A_1612 = arith.constant 128 : i32
      %mul3A_1613 = arith.muli %add3A_939, %mul3A_1612 : i32
      %ge3A_1614 = arith.constant 1 : i32
      %ge3A_1615 = arith.cmpi sge, %add3A_913, %ge3A_1614 : i32
      %convert_element_type3A_1616 = arith.extui %ge3A_1615 : i1 to i32
      %cond3A_1617 = arith.constant 0 : i32
      %cond3A_1618 = arith.cmpi ne, %convert_element_type3A_1616, %cond3A_1617 : i32
      scf.if %cond3A_1618 {
        %dma_wait3A_1778 = arith.constant 0 : i32
        %dma_wait3A_1779 = arith.constant 0 : i32
        %dma_wait3A_1780 = tpu.memref_slice %arg7[%dma_wait3A_1778, %dma_wait3A_1779] : memref<512x128xf32, #tpu.memory_space<vmem>> -> memref<256x128xf32, #tpu.memory_space<vmem>>
        %dma_wait3A_1781 = arith.constant 0 : i32
        %dma_wait3A_1782 = tpu.memref_slice %arg4[%mul3A_1613, %dma_wait3A_1781] : memref<3276800x128xf32, #tpu.memory_space<hbm>> -> memref<256x128xf32, #tpu.memory_space<hbm>>
        %dma_wait3A_1783 = arith.constant 0 : i32
        %dma_wait3A_1784 = tpu.memref_slice %arg4[%mul3A_1613, %dma_wait3A_1783] : memref<3276800x128xf32, #tpu.memory_space<hbm>> -> memref<256x128xf32, #tpu.memory_space<hbm>>
        %dma_wait3A_1785 = arith.constant 0 : i32
        %dma_wait3A_1786 = arith.constant 0 : i32
        %dma_wait3A_1787 = tpu.memref_slice %arg7[%dma_wait3A_1785, %dma_wait3A_1786] : memref<512x128xf32, #tpu.memory_space<vmem>> -> memref<256x128xf32, #tpu.memory_space<vmem>>
        tpu.wait_dma2 semaphore(%arg14 : memref<!tpu.dma_semaphore, #tpu.memory_space<semaphore_mem>>) src(%dma_wait3A_1787 : memref<256x128xf32, #tpu.memory_space<vmem>>) dst(%dma_wait3A_1784 : memref<256x128xf32, #tpu.memory_space<hbm>>)
      } else {
      }
      %dma_start3A_1619 = arith.constant 1 : i32
      %dma_start3A_1620 = arith.constant 0 : i32
      %dma_start3A_1621 = arith.constant 0 : i32
      %dma_start3A_1622 = arith.constant 0 : i32
      %dma_start3A_1623 = tpu.memref_slice %arg7[%dma_start3A_1621, %dma_start3A_1622] : memref<512x128xf32, #tpu.memory_space<vmem>> -> memref<128x128xf32, #tpu.memory_space<vmem>>
      %dma_start3A_1624 = arith.constant 0 : i32
      %dma_start3A_1625 = arith.constant 0 : i32
      %dma_start3A_1626 = tpu.memref_slice %arg6[%dma_start3A_1619, %dma_start3A_1624, %dma_start3A_1625] : memref<2x4x128xi32, #tpu.memory_space<vmem>> -> memref<1x4x128xi32, #tpu.memory_space<vmem>>
      %dma_start3A_1627 = tpu.memref_squeeze %dma_start3A_1626 : memref<1x4x128xi32, #tpu.memory_space<vmem>> -> memref<4x128xi32, #tpu.memory_space<vmem>>
      %dma_start3A_1628 = arith.constant 0 : i32
      %dma_start3A_1629 = tpu.memref_slice %dma_start3A_1627[%dma_start3A_1620, %dma_start3A_1628] : memref<4x128xi32, #tpu.memory_space<vmem>> -> memref<1x128xi32, #tpu.memory_space<vmem>>
      %dma_start3A_1630 = tpu.memref_squeeze %dma_start3A_1629 : memref<1x128xi32, #tpu.memory_space<vmem>> -> memref<128xi32, #tpu.memory_space<vmem>>
      %dma_start3A_1631 = arith.constant 0 : i32
      %dma_start3A_1632 = arith.constant 0 : i32
      %dma_start3A_1633 = tpu.memref_slice %arg5[%dma_start3A_1631, %dma_start3A_1632] : memref<70x128xf32, #tpu.memory_space<vmem_shared>> -> memref<70x128xf32, #tpu.memory_space<vmem_shared>>
      tpu.enqueue_indirect_dma source(%dma_start3A_1633 : memref<70x128xf32, #tpu.memory_space<vmem_shared>>) target(%dma_start3A_1623 : memref<128x128xf32, #tpu.memory_space<vmem>>) offsets(%dma_start3A_1630 : memref<128xi32, #tpu.memory_space<vmem>>) semaphore(%arg10 : memref<!tpu.dma_semaphore, #tpu.memory_space<semaphore_mem>>)
      %mul3A_1634 = arith.constant 128 : i32
      %mul3A_1635 = arith.muli %add3A_939, %mul3A_1634 : i32
      %dma_start3A_1636 = arith.constant 1 : i32
      %dma_start3A_1637 = arith.constant 1 : i32
      %dma_start3A_1638 = arith.constant 128 : i32
      %dma_start3A_1639 = arith.constant 0 : i32
      %dma_start3A_1640 = tpu.memref_slice %arg7[%dma_start3A_1638, %dma_start3A_1639] : memref<512x128xf32, #tpu.memory_space<vmem>> -> memref<128x128xf32, #tpu.memory_space<vmem>>
      %dma_start3A_1641 = arith.constant 0 : i32
      %dma_start3A_1642 = arith.constant 0 : i32
      %dma_start3A_1643 = tpu.memref_slice %arg6[%dma_start3A_1636, %dma_start3A_1641, %dma_start3A_1642] : memref<2x4x128xi32, #tpu.memory_space<vmem>> -> memref<1x4x128xi32, #tpu.memory_space<vmem>>
      %dma_start3A_1644 = tpu.memref_squeeze %dma_start3A_1643 : memref<1x4x128xi32, #tpu.memory_space<vmem>> -> memref<4x128xi32, #tpu.memory_space<vmem>>
      %dma_start3A_1645 = arith.constant 0 : i32
      %dma_start3A_1646 = tpu.memref_slice %dma_start3A_1644[%dma_start3A_1637, %dma_start3A_1645] : memref<4x128xi32, #tpu.memory_space<vmem>> -> memref<1x128xi32, #tpu.memory_space<vmem>>
      %dma_start3A_1647 = tpu.memref_squeeze %dma_start3A_1646 : memref<1x128xi32, #tpu.memory_space<vmem>> -> memref<128xi32, #tpu.memory_space<vmem>>
      %dma_start3A_1648 = arith.constant 0 : i32
      %dma_start3A_1649 = arith.constant 0 : i32
      %dma_start3A_1650 = tpu.memref_slice %arg5[%dma_start3A_1648, %dma_start3A_1649] : memref<70x128xf32, #tpu.memory_space<vmem_shared>> -> memref<70x128xf32, #tpu.memory_space<vmem_shared>>
      tpu.enqueue_indirect_dma source(%dma_start3A_1650 : memref<70x128xf32, #tpu.memory_space<vmem_shared>>) target(%dma_start3A_1640 : memref<128x128xf32, #tpu.memory_space<vmem>>) offsets(%dma_start3A_1647 : memref<128xi32, #tpu.memory_space<vmem>>) semaphore(%arg11 : memref<!tpu.dma_semaphore, #tpu.memory_space<semaphore_mem>>)
      %mul3A_1651 = arith.constant 128 : i32
      %mul3A_1652 = arith.muli %add3A_939, %mul3A_1651 : i32
      %ge3A_1653 = arith.constant 1 : i32
      %ge3A_1654 = arith.cmpi sge, %add3A_913, %ge3A_1653 : i32
      %convert_element_type3A_1655 = arith.extui %ge3A_1654 : i1 to i32
      %cond3A_1656 = arith.constant 0 : i32
      %cond3A_1657 = arith.cmpi ne, %convert_element_type3A_1655, %cond3A_1656 : i32
      scf.if %cond3A_1657 {
        %dma_wait3A_1778 = arith.constant 256 : i32
        %dma_wait3A_1779 = arith.constant 0 : i32
        %dma_wait3A_1780 = tpu.memref_slice %arg7[%dma_wait3A_1778, %dma_wait3A_1779] : memref<512x128xf32, #tpu.memory_space<vmem>> -> memref<256x128xf32, #tpu.memory_space<vmem>>
        %dma_wait3A_1781 = arith.constant 0 : i32
        %dma_wait3A_1782 = tpu.memref_slice %arg4[%mul3A_1652, %dma_wait3A_1781] : memref<3276800x128xf32, #tpu.memory_space<hbm>> -> memref<256x128xf32, #tpu.memory_space<hbm>>
        %dma_wait3A_1783 = arith.constant 0 : i32
        %dma_wait3A_1784 = tpu.memref_slice %arg4[%mul3A_1652, %dma_wait3A_1783] : memref<3276800x128xf32, #tpu.memory_space<hbm>> -> memref<256x128xf32, #tpu.memory_space<hbm>>
        %dma_wait3A_1785 = arith.constant 256 : i32
        %dma_wait3A_1786 = arith.constant 0 : i32
        %dma_wait3A_1787 = tpu.memref_slice %arg7[%dma_wait3A_1785, %dma_wait3A_1786] : memref<512x128xf32, #tpu.memory_space<vmem>> -> memref<256x128xf32, #tpu.memory_space<vmem>>
        tpu.wait_dma2 semaphore(%arg15 : memref<!tpu.dma_semaphore, #tpu.memory_space<semaphore_mem>>) src(%dma_wait3A_1787 : memref<256x128xf32, #tpu.memory_space<vmem>>) dst(%dma_wait3A_1784 : memref<256x128xf32, #tpu.memory_space<hbm>>)
      } else {
      }
      %dma_start3A_1658 = arith.constant 1 : i32
      %dma_start3A_1659 = arith.constant 2 : i32
      %dma_start3A_1660 = arith.constant 256 : i32
      %dma_start3A_1661 = arith.constant 0 : i32
      %dma_start3A_1662 = tpu.memref_slice %arg7[%dma_start3A_1660, %dma_start3A_1661] : memref<512x128xf32, #tpu.memory_space<vmem>> -> memref<128x128xf32, #tpu.memory_space<vmem>>
      %dma_start3A_1663 = arith.constant 0 : i32
      %dma_start3A_1664 = arith.constant 0 : i32
      %dma_start3A_1665 = tpu.memref_slice %arg6[%dma_start3A_1658, %dma_start3A_1663, %dma_start3A_1664] : memref<2x4x128xi32, #tpu.memory_space<vmem>> -> memref<1x4x128xi32, #tpu.memory_space<vmem>>
      %dma_start3A_1666 = tpu.memref_squeeze %dma_start3A_1665 : memref<1x4x128xi32, #tpu.memory_space<vmem>> -> memref<4x128xi32, #tpu.memory_space<vmem>>
      %dma_start3A_1667 = arith.constant 0 : i32
      %dma_start3A_1668 = tpu.memref_slice %dma_start3A_1666[%dma_start3A_1659, %dma_start3A_1667] : memref<4x128xi32, #tpu.memory_space<vmem>> -> memref<1x128xi32, #tpu.memory_space<vmem>>
      %dma_start3A_1669 = tpu.memref_squeeze %dma_start3A_1668 : memref<1x128xi32, #tpu.memory_space<vmem>> -> memref<128xi32, #tpu.memory_space<vmem>>
      %dma_start3A_1670 = arith.constant 0 : i32
      %dma_start3A_1671 = arith.constant 0 : i32
      %dma_start3A_1672 = tpu.memref_slice %arg5[%dma_start3A_1670, %dma_start3A_1671] : memref<70x128xf32, #tpu.memory_space<vmem_shared>> -> memref<70x128xf32, #tpu.memory_space<vmem_shared>>
      tpu.enqueue_indirect_dma source(%dma_start3A_1672 : memref<70x128xf32, #tpu.memory_space<vmem_shared>>) target(%dma_start3A_1662 : memref<128x128xf32, #tpu.memory_space<vmem>>) offsets(%dma_start3A_1669 : memref<128xi32, #tpu.memory_space<vmem>>) semaphore(%arg12 : memref<!tpu.dma_semaphore, #tpu.memory_space<semaphore_mem>>)
      %mul3A_1673 = arith.constant 128 : i32
      %mul3A_1674 = arith.muli %add3A_939, %mul3A_1673 : i32
      %dma_start3A_1675 = arith.constant 1 : i32
      %dma_start3A_1676 = arith.constant 3 : i32
      %dma_start3A_1677 = arith.constant 384 : i32
      %dma_start3A_1678 = arith.constant 0 : i32
      %dma_start3A_1679 = tpu.memref_slice %arg7[%dma_start3A_1677, %dma_start3A_1678] : memref<512x128xf32, #tpu.memory_space<vmem>> -> memref<128x128xf32, #tpu.memory_space<vmem>>
      %dma_start3A_1680 = arith.constant 0 : i32
      %dma_start3A_1681 = arith.constant 0 : i32
      %dma_start3A_1682 = tpu.memref_slice %arg6[%dma_start3A_1675, %dma_start3A_1680, %dma_start3A_1681] : memref<2x4x128xi32, #tpu.memory_space<vmem>> -> memref<1x4x128xi32, #tpu.memory_space<vmem>>
      %dma_start3A_1683 = tpu.memref_squeeze %dma_start3A_1682 : memref<1x4x128xi32, #tpu.memory_space<vmem>> -> memref<4x128xi32, #tpu.memory_space<vmem>>
      %dma_start3A_1684 = arith.constant 0 : i32
      %dma_start3A_1685 = tpu.memref_slice %dma_start3A_1683[%dma_start3A_1676, %dma_start3A_1684] : memref<4x128xi32, #tpu.memory_space<vmem>> -> memref<1x128xi32, #tpu.memory_space<vmem>>
      %dma_start3A_1686 = tpu.memref_squeeze %dma_start3A_1685 : memref<1x128xi32, #tpu.memory_space<vmem>> -> memref<128xi32, #tpu.memory_space<vmem>>
      %dma_start3A_1687 = arith.constant 0 : i32
      %dma_start3A_1688 = arith.constant 0 : i32
      %dma_start3A_1689 = tpu.memref_slice %arg5[%dma_start3A_1687, %dma_start3A_1688] : memref<70x128xf32, #tpu.memory_space<vmem_shared>> -> memref<70x128xf32, #tpu.memory_space<vmem_shared>>
      tpu.enqueue_indirect_dma source(%dma_start3A_1689 : memref<70x128xf32, #tpu.memory_space<vmem_shared>>) target(%dma_start3A_1679 : memref<128x128xf32, #tpu.memory_space<vmem>>) offsets(%dma_start3A_1686 : memref<128xi32, #tpu.memory_space<vmem>>) semaphore(%arg13 : memref<!tpu.dma_semaphore, #tpu.memory_space<semaphore_mem>>)
      %dma_wait3A_1690 = arith.constant 1 : i32
      %dma_wait3A_1691 = arith.constant 0 : i32
      %dma_wait3A_1692 = arith.constant 0 : i32
      %dma_wait3A_1693 = arith.constant 0 : i32
      %dma_wait3A_1694 = tpu.memref_slice %arg7[%dma_wait3A_1692, %dma_wait3A_1693] : memref<512x128xf32, #tpu.memory_space<vmem>> -> memref<128x128xf32, #tpu.memory_space<vmem>>
      %dma_wait3A_1695 = arith.constant 0 : i32
      %dma_wait3A_1696 = arith.constant 0 : i32
      %dma_wait3A_1697 = tpu.memref_slice %arg6[%dma_wait3A_1690, %dma_wait3A_1695, %dma_wait3A_1696] : memref<2x4x128xi32, #tpu.memory_space<vmem>> -> memref<1x4x128xi32, #tpu.memory_space<vmem>>
      %dma_wait3A_1698 = tpu.memref_squeeze %dma_wait3A_1697 : memref<1x4x128xi32, #tpu.memory_space<vmem>> -> memref<4x128xi32, #tpu.memory_space<vmem>>
      %dma_wait3A_1699 = arith.constant 0 : i32
      %dma_wait3A_1700 = tpu.memref_slice %dma_wait3A_1698[%dma_wait3A_1691, %dma_wait3A_1699] : memref<4x128xi32, #tpu.memory_space<vmem>> -> memref<1x128xi32, #tpu.memory_space<vmem>>
      %dma_wait3A_1701 = tpu.memref_squeeze %dma_wait3A_1700 : memref<1x128xi32, #tpu.memory_space<vmem>> -> memref<128xi32, #tpu.memory_space<vmem>>
      %dma_wait3A_1702 = arith.constant 0 : i32
      %dma_wait3A_1703 = arith.constant 0 : i32
      %dma_wait3A_1704 = tpu.memref_slice %arg5[%dma_wait3A_1702, %dma_wait3A_1703] : memref<70x128xf32, #tpu.memory_space<vmem_shared>> -> memref<70x128xf32, #tpu.memory_space<vmem_shared>>
      tpu.wait_indirect_dma semaphore(%arg10 : memref<!tpu.dma_semaphore, #tpu.memory_space<semaphore_mem>>) src(%dma_wait3A_1704 : memref<70x128xf32, #tpu.memory_space<vmem_shared>>) dst(%dma_wait3A_1694 : memref<128x128xf32, #tpu.memory_space<vmem>>)
      %dma_wait3A_1705 = arith.constant 1 : i32
      %dma_wait3A_1706 = arith.constant 1 : i32
      %dma_wait3A_1707 = arith.constant 128 : i32
      %dma_wait3A_1708 = arith.constant 0 : i32
      %dma_wait3A_1709 = tpu.memref_slice %arg7[%dma_wait3A_1707, %dma_wait3A_1708] : memref<512x128xf32, #tpu.memory_space<vmem>> -> memref<128x128xf32, #tpu.memory_space<vmem>>
      %dma_wait3A_1710 = arith.constant 0 : i32
      %dma_wait3A_1711 = arith.constant 0 : i32
      %dma_wait3A_1712 = tpu.memref_slice %arg6[%dma_wait3A_1705, %dma_wait3A_1710, %dma_wait3A_1711] : memref<2x4x128xi32, #tpu.memory_space<vmem>> -> memref<1x4x128xi32, #tpu.memory_space<vmem>>
      %dma_wait3A_1713 = tpu.memref_squeeze %dma_wait3A_1712 : memref<1x4x128xi32, #tpu.memory_space<vmem>> -> memref<4x128xi32, #tpu.memory_space<vmem>>
      %dma_wait3A_1714 = arith.constant 0 : i32
      %dma_wait3A_1715 = tpu.memref_slice %dma_wait3A_1713[%dma_wait3A_1706, %dma_wait3A_1714] : memref<4x128xi32, #tpu.memory_space<vmem>> -> memref<1x128xi32, #tpu.memory_space<vmem>>
      %dma_wait3A_1716 = tpu.memref_squeeze %dma_wait3A_1715 : memref<1x128xi32, #tpu.memory_space<vmem>> -> memref<128xi32, #tpu.memory_space<vmem>>
      %dma_wait3A_1717 = arith.constant 0 : i32
      %dma_wait3A_1718 = arith.constant 0 : i32
      %dma_wait3A_1719 = tpu.memref_slice %arg5[%dma_wait3A_1717, %dma_wait3A_1718] : memref<70x128xf32, #tpu.memory_space<vmem_shared>> -> memref<70x128xf32, #tpu.memory_space<vmem_shared>>
      tpu.wait_indirect_dma semaphore(%arg11 : memref<!tpu.dma_semaphore, #tpu.memory_space<semaphore_mem>>) src(%dma_wait3A_1719 : memref<70x128xf32, #tpu.memory_space<vmem_shared>>) dst(%dma_wait3A_1709 : memref<128x128xf32, #tpu.memory_space<vmem>>)
      %mul3A_1720 = arith.constant 128 : i32
      %mul3A_1721 = arith.muli %add3A_939, %mul3A_1720 : i32
      %add3A_1722 = arith.constant 0 : i32
      %add3A_1723 = arith.addi %mul3A_1721, %add3A_1722 : i32
      %dma_start3A_1724 = arith.constant 0 : i32
      %dma_start3A_1725 = arith.constant 0 : i32
      %dma_start3A_1726 = tpu.memref_slice %arg7[%dma_start3A_1724, %dma_start3A_1725] : memref<512x128xf32, #tpu.memory_space<vmem>> -> memref<256x128xf32, #tpu.memory_space<vmem>>
      %dma_start3A_1727 = arith.constant 0 : i32
      %dma_start3A_1728 = tpu.memref_slice %arg4[%add3A_1723, %dma_start3A_1727] : memref<3276800x128xf32, #tpu.memory_space<hbm>> -> memref<256x128xf32, #tpu.memory_space<hbm>>
      %dma_start3A_1729 = arith.constant 0 : i32
      %dma_start3A_1730 = tpu.memref_slice %arg4[%add3A_1723, %dma_start3A_1729] : memref<3276800x128xf32, #tpu.memory_space<hbm>> -> memref<256x128xf32, #tpu.memory_space<hbm>>
      %dma_start3A_1731 = arith.constant 0 : i32
      %dma_start3A_1732 = arith.constant 0 : i32
      %dma_start3A_1733 = tpu.memref_slice %arg7[%dma_start3A_1731, %dma_start3A_1732] : memref<512x128xf32, #tpu.memory_space<vmem>> -> memref<256x128xf32, #tpu.memory_space<vmem>>
      tpu.enqueue_dma source(%dma_start3A_1733 : memref<256x128xf32, #tpu.memory_space<vmem>>) target(%dma_start3A_1730 : memref<256x128xf32, #tpu.memory_space<hbm>>) target_semaphore(%arg14 : memref<!tpu.dma_semaphore, #tpu.memory_space<semaphore_mem>>)
      %dma_wait3A_1734 = arith.constant 1 : i32
      %dma_wait3A_1735 = arith.constant 2 : i32
      %dma_wait3A_1736 = arith.constant 256 : i32
      %dma_wait3A_1737 = arith.constant 0 : i32
      %dma_wait3A_1738 = tpu.memref_slice %arg7[%dma_wait3A_1736, %dma_wait3A_1737] : memref<512x128xf32, #tpu.memory_space<vmem>> -> memref<128x128xf32, #tpu.memory_space<vmem>>
      %dma_wait3A_1739 = arith.constant 0 : i32
      %dma_wait3A_1740 = arith.constant 0 : i32
      %dma_wait3A_1741 = tpu.memref_slice %arg6[%dma_wait3A_1734, %dma_wait3A_1739, %dma_wait3A_1740] : memref<2x4x128xi32, #tpu.memory_space<vmem>> -> memref<1x4x128xi32, #tpu.memory_space<vmem>>
      %dma_wait3A_1742 = tpu.memref_squeeze %dma_wait3A_1741 : memref<1x4x128xi32, #tpu.memory_space<vmem>> -> memref<4x128xi32, #tpu.memory_space<vmem>>
      %dma_wait3A_1743 = arith.constant 0 : i32
      %dma_wait3A_1744 = tpu.memref_slice %dma_wait3A_1742[%dma_wait3A_1735, %dma_wait3A_1743] : memref<4x128xi32, #tpu.memory_space<vmem>> -> memref<1x128xi32, #tpu.memory_space<vmem>>
      %dma_wait3A_1745 = tpu.memref_squeeze %dma_wait3A_1744 : memref<1x128xi32, #tpu.memory_space<vmem>> -> memref<128xi32, #tpu.memory_space<vmem>>
      %dma_wait3A_1746 = arith.constant 0 : i32
      %dma_wait3A_1747 = arith.constant 0 : i32
      %dma_wait3A_1748 = tpu.memref_slice %arg5[%dma_wait3A_1746, %dma_wait3A_1747] : memref<70x128xf32, #tpu.memory_space<vmem_shared>> -> memref<70x128xf32, #tpu.memory_space<vmem_shared>>
      tpu.wait_indirect_dma semaphore(%arg12 : memref<!tpu.dma_semaphore, #tpu.memory_space<semaphore_mem>>) src(%dma_wait3A_1748 : memref<70x128xf32, #tpu.memory_space<vmem_shared>>) dst(%dma_wait3A_1738 : memref<128x128xf32, #tpu.memory_space<vmem>>)
      %dma_wait3A_1749 = arith.constant 1 : i32
      %dma_wait3A_1750 = arith.constant 3 : i32
      %dma_wait3A_1751 = arith.constant 384 : i32
      %dma_wait3A_1752 = arith.constant 0 : i32
      %dma_wait3A_1753 = tpu.memref_slice %arg7[%dma_wait3A_1751, %dma_wait3A_1752] : memref<512x128xf32, #tpu.memory_space<vmem>> -> memref<128x128xf32, #tpu.memory_space<vmem>>
      %dma_wait3A_1754 = arith.constant 0 : i32
      %dma_wait3A_1755 = arith.constant 0 : i32
      %dma_wait3A_1756 = tpu.memref_slice %arg6[%dma_wait3A_1749, %dma_wait3A_1754, %dma_wait3A_1755] : memref<2x4x128xi32, #tpu.memory_space<vmem>> -> memref<1x4x128xi32, #tpu.memory_space<vmem>>
      %dma_wait3A_1757 = tpu.memref_squeeze %dma_wait3A_1756 : memref<1x4x128xi32, #tpu.memory_space<vmem>> -> memref<4x128xi32, #tpu.memory_space<vmem>>
      %dma_wait3A_1758 = arith.constant 0 : i32
      %dma_wait3A_1759 = tpu.memref_slice %dma_wait3A_1757[%dma_wait3A_1750, %dma_wait3A_1758] : memref<4x128xi32, #tpu.memory_space<vmem>> -> memref<1x128xi32, #tpu.memory_space<vmem>>
      %dma_wait3A_1760 = tpu.memref_squeeze %dma_wait3A_1759 : memref<1x128xi32, #tpu.memory_space<vmem>> -> memref<128xi32, #tpu.memory_space<vmem>>
      %dma_wait3A_1761 = arith.constant 0 : i32
      %dma_wait3A_1762 = arith.constant 0 : i32
      %dma_wait3A_1763 = tpu.memref_slice %arg5[%dma_wait3A_1761, %dma_wait3A_1762] : memref<70x128xf32, #tpu.memory_space<vmem_shared>> -> memref<70x128xf32, #tpu.memory_space<vmem_shared>>
      tpu.wait_indirect_dma semaphore(%arg13 : memref<!tpu.dma_semaphore, #tpu.memory_space<semaphore_mem>>) src(%dma_wait3A_1763 : memref<70x128xf32, #tpu.memory_space<vmem_shared>>) dst(%dma_wait3A_1753 : memref<128x128xf32, #tpu.memory_space<vmem>>)
      %mul3A_1764 = arith.constant 128 : i32
      %mul3A_1765 = arith.muli %add3A_939, %mul3A_1764 : i32
      %add3A_1766 = arith.constant 256 : i32
      %add3A_1767 = arith.addi %mul3A_1765, %add3A_1766 : i32
      %dma_start3A_1768 = arith.constant 256 : i32
      %dma_start3A_1769 = arith.constant 0 : i32
      %dma_start3A_1770 = tpu.memref_slice %arg7[%dma_start3A_1768, %dma_start3A_1769] : memref<512x128xf32, #tpu.memory_space<vmem>> -> memref<256x128xf32, #tpu.memory_space<vmem>>
      %dma_start3A_1771 = arith.constant 0 : i32
      %dma_start3A_1772 = tpu.memref_slice %arg4[%add3A_1767, %dma_start3A_1771] : memref<3276800x128xf32, #tpu.memory_space<hbm>> -> memref<256x128xf32, #tpu.memory_space<hbm>>
      %dma_start3A_1773 = arith.constant 0 : i32
      %dma_start3A_1774 = tpu.memref_slice %arg4[%add3A_1767, %dma_start3A_1773] : memref<3276800x128xf32, #tpu.memory_space<hbm>> -> memref<256x128xf32, #tpu.memory_space<hbm>>
      %dma_start3A_1775 = arith.constant 256 : i32
      %dma_start3A_1776 = arith.constant 0 : i32
      %dma_start3A_1777 = tpu.memref_slice %arg7[%dma_start3A_1775, %dma_start3A_1776] : memref<512x128xf32, #tpu.memory_space<vmem>> -> memref<256x128xf32, #tpu.memory_space<vmem>>
      tpu.enqueue_dma source(%dma_start3A_1777 : memref<256x128xf32, #tpu.memory_space<vmem>>) target(%dma_start3A_1774 : memref<256x128xf32, #tpu.memory_space<hbm>>) target_semaphore(%arg15 : memref<!tpu.dma_semaphore, #tpu.memory_space<semaphore_mem>>)
    }
    %scan3A_23 = arith.constant 100 : i32
    %mul3A_24 = arith.constant 128 : i32
    %mul3A_25 = arith.muli %mul3A_2, %mul3A_24 : i32
    %dma_wait3A = arith.constant 0 : i32
    %dma_wait3A_26 = arith.constant 0 : i32
    %dma_wait3A_27 = tpu.memref_slice %arg7[%dma_wait3A, %dma_wait3A_26] : memref<512x128xf32, #tpu.memory_space<vmem>> -> memref<256x128xf32, #tpu.memory_space<vmem>>
    %dma_wait3A_28 = arith.constant 0 : i32
    %dma_wait3A_29 = tpu.memref_slice %arg4[%mul3A_25, %dma_wait3A_28] : memref<3276800x128xf32, #tpu.memory_space<hbm>> -> memref<256x128xf32, #tpu.memory_space<hbm>>
    %dma_wait3A_30 = arith.constant 0 : i32
    %dma_wait3A_31 = tpu.memref_slice %arg4[%mul3A_25, %dma_wait3A_30] : memref<3276800x128xf32, #tpu.memory_space<hbm>> -> memref<256x128xf32, #tpu.memory_space<hbm>>
    %dma_wait3A_32 = arith.constant 0 : i32
    %dma_wait3A_33 = arith.constant 0 : i32
    %dma_wait3A_34 = tpu.memref_slice %arg7[%dma_wait3A_32, %dma_wait3A_33] : memref<512x128xf32, #tpu.memory_space<vmem>> -> memref<256x128xf32, #tpu.memory_space<vmem>>
    tpu.wait_dma2 semaphore(%arg14 : memref<!tpu.dma_semaphore, #tpu.memory_space<semaphore_mem>>) src(%dma_wait3A_34 : memref<256x128xf32, #tpu.memory_space<vmem>>) dst(%dma_wait3A_31 : memref<256x128xf32, #tpu.memory_space<hbm>>)
    %mul3A_35 = arith.constant 128 : i32
    %mul3A_36 = arith.muli %mul3A_2, %mul3A_35 : i32
    %dma_wait3A_37 = arith.constant 256 : i32
    %dma_wait3A_38 = arith.constant 0 : i32
    %dma_wait3A_39 = tpu.memref_slice %arg7[%dma_wait3A_37, %dma_wait3A_38] : memref<512x128xf32, #tpu.memory_space<vmem>> -> memref<256x128xf32, #tpu.memory_space<vmem>>
    %dma_wait3A_40 = arith.constant 0 : i32
    %dma_wait3A_41 = tpu.memref_slice %arg4[%mul3A_36, %dma_wait3A_40] : memref<3276800x128xf32, #tpu.memory_space<hbm>> -> memref<256x128xf32, #tpu.memory_space<hbm>>
    %dma_wait3A_42 = arith.constant 0 : i32
    %dma_wait3A_43 = tpu.memref_slice %arg4[%mul3A_36, %dma_wait3A_42] : memref<3276800x128xf32, #tpu.memory_space<hbm>> -> memref<256x128xf32, #tpu.memory_space<hbm>>
    %dma_wait3A_44 = arith.constant 256 : i32
    %dma_wait3A_45 = arith.constant 0 : i32
    %dma_wait3A_46 = tpu.memref_slice %arg7[%dma_wait3A_44, %dma_wait3A_45] : memref<512x128xf32, #tpu.memory_space<vmem>> -> memref<256x128xf32, #tpu.memory_space<vmem>>
    tpu.wait_dma2 semaphore(%arg15 : memref<!tpu.dma_semaphore, #tpu.memory_space<semaphore_mem>>) src(%dma_wait3A_46 : memref<256x128xf32, #tpu.memory_space<vmem>>) dst(%dma_wait3A_43 : memref<256x128xf32, #tpu.memory_space<hbm>>)
    return
  }
}

</mosaic_0001>

<sc_bundles>
// kernel: kernel.3.cloned.1.call-start
scs
__scs_entry_jumppad:
0x0: {  	(pc) =	sbr.rel $0x88, $3  }
0x1: {  	(tag) =	ssettag $0x0;
	lr =	simm.s32 $0x1  }
0x2: {  	[smem:$0x3F9F] =	sst lr;
	_ =	strace $0xD0000000  }
0x3: {  	_ = 	snop  }
0x4: {  	_ = 	snop  }
0x5: {  	_ = 	snop  }
0x6: {  	_ = 	snop  }
0x7: {  	_ = 	snop  }
__scs_overlays_trampoline_lowered:
0x8: {  	[smem:$0x3FAE] =	sst s0  }
0x9: {  	[smem:$0x3FAF] =	sst s1  }
0xa: {  	[smem:$0x3FB0] =	sst s2  }
0xb: {  	[smem:$0x3FB1] =	sst s3  }
0xc: {  	[smem:$0x3FB2] =	sst s4  }
0xd: {  	[smem:$0x3FB3] =	sst s5  }
0xe: {  	[smem:$0x3FB4] =	sst s6  }
0xf: {  	[smem:$0x3FB5] =	sst s7  }
0x10: {  	[smem:$0x3FB6] =	sst s8  }
0x11: {  	[smem:$0x3FB7] =	sst s9;
	s0 =	simm.s32 @!p0 $0x0  }
0x12: {  	s1 =	sld [smem:$0x3F9D];
	s0 =	simm.s32 @p0 $0x1  }
0x13: {  	[smem:$0x3FB8] =	sst s0;
	s0 =	simm.s32 @!p1 $0x0  }
0x14: {  	s2 =	sld [smem:$0x3F9C];
	s0 =	simm.s32 @p1 $0x1  }
0x15: {  	[smem:$0x3FB9] =	sst s0;
	s0 =	simm.s32 @!p2 $0x0  }
0x16: {  	s3 =	sld [smem:$0x3FDB];
	s0 =	simm.s32 @p2 $0x1  }
0x17: {  	s4 =	simm.s32 $0x1BF5;
	[smem:$0x3FBB] =	sst s0  }
0x18: {  	s0 =	sld [smem:$0x3F9E];
	_ =	swait.ge [sflag:s4], $0x0  }
0x19: {  	s7 =	sld [smem:$0x3F9F]  }
0x1a: {  	s8 =	sadd.s32 $0xFFFFE003, lr  }
0x1b: {  	s9 =	sadd.s32 $0xFFFFFEF7, lr;
	s5 =	simm.s32 $0xFFFFFFFF;
	p2 =	slt.u32 s8, $0xFFFFF086  }
0x1c: {  	p1 =	slt.u32 s9, $0xF7A;
	s5 =	simm.s32 @!p2 $0x0  }
0x1d: {  	s5 =	simm.s32 @p1 $0x1;
	p0 =	seq.s32 s7, s2  }
0x1e: {  	s7 =	smul.u32 @!p0 $0xF7A, s2;
	p2 =	seq.s32 @!p0 s5, $0x0  }
0x1f: {  	s9 =	smul.u32 $0xF7A, s1;
	s8 =	simm.s32 @!p0 $0x1BF5;
	p2 =	por !p2, p0  }
0x20: {  	[sflag:s8] =	ssyncset.s32 @!p0 $0xFFFFF086;
	s6 =	sadd.s32 @!p0 s3, s7;
	s7 =	simm.s32 @!p0 $0x108  }
0x21: {  	s3 =	sadd.s32 s3, s9;
	s6 =	sadd.s32 @!p0 $0x88, s6;
	s7 =	simm.s32 @p2 $0x1082  }
0x22: {  	[simem:s7], [sflag:s8] =	dma.local @!p0 [hbm:s6], $0xF7A  }
0x23: {  	s9 =	sor.u32 $0xD0000000, s2;
	s6 =	simm.s32 $0x108;
	_ =	swait.ge @!p0 [sflag:s8], $0x0  }
0x24: {  	s3 =	sadd.s32 $0x88, s3;
	s6 =	simm.s32 @!p1 $0x1082;
	[sflag:s4] =	ssyncset.s32 $0xFFFFF086  }
0x25: {  	[simem:s6], [sflag:s4] =	dma.local [hbm:s3], $0xF7A  }
0x26: {  	[smem:$0x3F9F] =	sst s1;
	(tag) =	ssettag s2;
	_ =	strace s9  }
0x27: {  	s1 =	sld [smem:$0x3FAF]  }
0x28: {  	s2 =	sld [smem:$0x3FB0]  }
0x29: {  	s4 =	sld [smem:$0x3FB2]  }
0x2a: {  	p0 =	seq.s32 s5, $0x0;
	s5 =	sld [smem:$0x3FB3]  }
0x2b: {  	s6 =	sld [smem:$0x3FB4]  }
0x2c: {  	s7 =	sld [smem:$0x3FB5]  }
0x2d: {  	s3 =	simm.s32 $0x108;
	s8 =	sld [smem:$0x3FB6]  }
0x2e: {  	s3 =	simm.s32 @!p0 $0x1082;
	s9 =	sld [smem:$0x3FB7]  }
0x2f: {  	lr =	sadd.s32 s0, s3;
	s0 =	sld [smem:$0x3FAE]  }
0x30: {  	s3 =	sld [smem:$0x3FB1]  }
0x31: {  	[smem:$0x3FBA] =	sst s10  }
0x32: {  	s10 =	sld [smem:$0x3FB8];
	_ =	sdelay $0x3  }
0x33: {  	p0 =	seq.s32 s10, $0x1;
	s10 =	sld [smem:$0x3FBA];
	_ =	sdelay $0x3  }
0x34: {  	[smem:$0x3FBA] =	sst s10  }
0x35: {  	s10 =	sld [smem:$0x3FB9];
	_ =	sdelay $0x3  }
0x36: {  	p1 =	seq.s32 s10, $0x1;
	s10 =	sld [smem:$0x3FBA];
	_ =	sdelay $0x3  }
0x37: {  	[smem:$0x3FBA] =	sst s10  }
0x38: {  	s10 =	sld [smem:$0x3FBB]  }
0x39: {  	_ = 	snop;
	(pc) =	sbr.ind lr, $3  }
0x3a: {  	_ = 	snop  }
0x3b: {  	_ = 	snop  }
0x3c: {  	p2 =	seq.s32 s10, $0x1;
	s10 =	sld [smem:$0x3FBA]  }
0x3d: {  	_ =	shalt  }
0x3e: {  	_ =	shalt  }
0x3f: {  	_ =	shalt  }
0x40: {  	_ =	shalt  }
0x41: {  	_ =	shalt  }
0x42: {  	_ =	shalt  }
0x43: {  	_ =	shalt  }
0x44: {  	_ =	shalt  }
0x45: {  	_ =	shalt  }
0x46: {  	_ =	shalt  }
0x47: {  	_ =	shalt  }
0x48: {  	_ =	shalt  }
0x49: {  	_ =	shalt  }
0x4a: {  	_ =	shalt  }
0x4b: {  	_ =	shalt  }
0x4c: {  	_ =	shalt  }
0x4d: {  	_ =	shalt  }
0x4e: {  	_ =	shalt  }
0x4f: {  	_ =	shalt  }
0x50: {  	_ =	shalt  }
0x51: {  	_ =	shalt  }
0x52: {  	_ =	shalt  }
0x53: {  	_ =	shalt  }
0x54: {  	_ =	shalt  }
0x55: {  	_ =	shalt  }
0x56: {  	_ =	shalt  }
0x57: {  	_ =	shalt  }
0x58: {  	_ =	shalt  }
0x59: {  	_ =	shalt  }
0x5a: {  	_ =	shalt  }
0x5b: {  	_ =	shalt  }
0x5c: {  	_ =	shalt  }
0x5d: {  	_ =	shalt  }
0x5e: {  	_ =	shalt  }
0x5f: {  	_ =	shalt  }
0x60: {  	_ =	shalt  }
0x61: {  	_ =	shalt  }
0x62: {  	_ =	shalt  }
0x63: {  	_ =	shalt  }
0x64: {  	_ =	shalt  }
0x65: {  	_ =	shalt  }
0x66: {  	_ =	shalt  }
0x67: {  	_ =	shalt  }
0x68: {  	_ =	shalt  }
0x69: {  	_ =	shalt  }
0x6a: {  	_ =	shalt  }
0x6b: {  	_ =	shalt  }
0x6c: {  	_ =	shalt  }
0x6d: {  	_ =	shalt  }
0x6e: {  	_ =	shalt  }
0x6f: {  	_ =	shalt  }
0x70: {  	_ =	shalt  }
0x71: {  	_ =	shalt  }
0x72: {  	_ =	shalt  }
0x73: {  	_ =	shalt  }
0x74: {  	_ =	shalt  }
0x75: {  	_ =	shalt  }
0x76: {  	_ =	shalt  }
0x77: {  	_ =	shalt  }
0x78: {  	_ =	shalt  }
0x79: {  	_ =	shalt  }
0x7a: {  	_ =	shalt  }
0x7b: {  	_ =	shalt  }
0x7c: {  	_ =	shalt  }
0x7d: {  	_ =	shalt  }
0x7e: {  	_ =	shalt  }
0x7f: {  	_ =	shalt  }
0x80: {  	_ =	shalt  }
0x81: {  	_ =	shalt  }
0x82: {  	_ =	shalt  }
0x83: {  	_ =	shalt  }
0x84: {  	_ =	shalt  }
0x85: {  	_ =	shalt  }
0x86: {  	_ =	shalt  }
0x87: {  	_ =	shalt  }
.Lfunc_end0:
.L_simem_size_0:
called_computation_lowered:
.L_overlay_start_0:
0x88: {  	s2 =	sld [smem:$0x3FD9]  }
0x89: {  	s3 =	sld [smem:$0x3FFE];
	_ =	sdelay $0x1  }
0x8a: {  	s1 =	srdreg.scid  }
0x8b: {  	s0 =	sand.u32 $0x1, s1  }
0x8c: {  	s17 =	sshll.u32 s0, $0xA;
	s2 =	sadd.s32 s3, s2  }
0x8d: {  	s2 =	sadd.s32 s2, s17  }
0x8e: {  	[smem:$0x3FC6] =	sst s2  }
0x8f: {  	_ = 	snop  }
0x90: {  	s2 =	sld [smem:$0x3FC8]  }
0x91: {  	s18 =	sld [smem:$0x3FD0];
	(tm) =	ssettm $0x1  }
0x92: {  	s4 =	sld [smem:$0x3FFB];
	_ =	sdelay $0x3  }
0x93: {  	_ =	strace s4  }
0x94: {  	s4 =	sld [smem:$0x3FFC];
	_ =	sdelay $0x3  }
0x95: {  	_ =	strace s4  }
0x96: {  	s4 =	sld [smem:$0x3FFD];
	_ =	sdelay $0x3  }
0x97: {  	_ =	strace s4  }
0x98: {  	_ =	strace $0x8FFFFFFF  }
0x99: {  	s19 =	sld [smem:$0x3FDB];
	_ =	sdelay $0x1  }
0x9a: {  	s5 =	simm.s32 $_scs_section_size  }
0x9b: {  	s6 =	simm.s32 $_size__tile_overlayer_lowered;
	s7 =	simm.s32 $_tile_overlayer_lowered  }
0x9c: {  	s22 =	simm.s32 $0x1BFF;
	s21 =	sshll.u32 s7, $0x1;
	s4 =	sadd.s32 s5, s19  }
0x9d: {  	s8 =	simm.s32 $0x0;
	s20 =	sshll.u32 s6, $0x1;
	s6 =	sadd.s32 s21, s4  }
0x9e: {  	[timem:s8], [sflag:s22] =	dma.local [hbm:s6], s20  }
0x9f: {  	_ =	swait.ge [sflag:s22], s20  }
0xa0: {  	s5 =	ssub.s32 $0x0, s20;
	[sflag:s22] =	ssyncset.done $0x0  }
0xa1: {  	[sflag:s22] =	ssyncadd.s32 s5;
	_ =	sdelay $0x1  }
0xa2: {  	s23 =	simm.s32 $0x1B8B  }
0xa3: {  	_ =	swait.ge [sflag:s23], $0x1  }
0xa4: {  	[sflag:s23] =	ssyncset.done $0x0  }
0xa5: {  	s25 =	simm.s32 $0x1B8E;
	s24 =	sld [smem:$0x3FFE];
	[sflag:s23] =	ssyncadd.s32 $0xFFFFFFFF  }
0xa6: {  	s26 =	simm.s32 $execute0_lowered;
	[smem:$0x3FD2] =	sst s25  }
0xa7: {  	s6 =	sshll.u32 s26, $0x1;
	_ =	strace $0x80000046;
	[dreg:$0x1] =	wrdreg $0xFFFFFFFF  }
0xa8: {  	s28 =	simm.s32 $_size_execute0_lowered;
	s4 =	sadd.s32 s4, s6;
	[dreg:$0x0] =	wrdreg $0x0  }
0xa9: {  	s6 =	sshll.u32 s28, $0x1;
	[dreg:$0x2] =	wrdreg s4  }
0xaa: {  	[dreg:$0x3] =	wrdreg s6  }
0xab: {  	[dreg:$0x4] =	wrdreg $0xC0  }
0xac: {  	_ =	task [dreg:s8], $0x5FFFF  }
0xad: {  	[dreg:$0x1] =	wrdreg $0xFFFFFFFF  }
0xae: {  	[dreg:$0x0] =	wrdreg $0x60  }
0xaf: {  	[dreg:$0x2] =	wrdreg s2  }
0xb0: {  	[dreg:$0x3] =	wrdreg s24  }
0xb1: {  	[dreg:$0x4] =	wrdreg s18  }
0xb2: {  	[dreg:$0x5] =	wrdreg $0x0  }
0xb3: {  	[dreg:$0x6] =	wrdreg $0x9  }
0xb4: {  	_ =	task.clear_ibuf [dreg:s8], $0x7FFFF;
	_ =	strace $0x90000046  }
0xb5: {  	s29 =	simm.s32 $0x9;
	_ =	strace $0x80000048  }
0xb6: {  	_ =	swait.ge [sflag:s29], $0x1  }
0xb7: {  	[sflag:s29] =	ssyncadd.s32 $0xFFFFFFFF  }
0xb8: {  	_ =	strace $0x90000048  }
0xb9: {  	_ =	sfence  }
0xba: {  	s30 =	sld [smem:$0x0];
	_ =	sdelay $0x2  }
0xbb: {  	s31 =	sshll.u32 s1, $0xD;
	s1 =	sshrl.u32 s1, $0x2  }
0xbc: {  	s3 =	sand.u32 $0x4000, s31;
	s1 =	sadd.s32 s1, s30  }
0xbd: {  	s0 =	sor.u32 s3, s0;
	s1 =	sshll.u32 s1, $0x11  }
0xbe: {  	s0 =	sor.u32 s1, s0  }
0xbf: {  	s0 =	sadd.s32 $0x8F2B, s0  }
0xc0: {  	[sflag:s0] =	ssyncadd.remote.s32 $0x1  }
0xc1: {  	_ =	sfence.sel $0xFFFF  }
0xc2: {  	[dreg:$0x0] =	wrdreg $0xFFFFFFFF;
	(pc) =	sbr.abs _section_cstart, $3  }
0xc3: {  	[dreg:$0x1] =	wrdreg $0xFFFFFFFF  }
0xc4: {  	_ =	task.clear_ibuf [dreg:s8], $0x2FFFF;
	_ =	strace $0x9FFFFFFF  }
0xc5: {  	(tm) =	ssettm $0x7FFFFFFF  }
tec
execute0_lowered:
.L_overlay_start_1:
0x0: {  	(tag) =	ssettag $0x1  }
0x1: {  	s1 =	rddreg [dreg:$0x0]  }
0x2: {  	s4 =	rddreg [dreg:$0x1]  }
0x3: {  	s5 =	rddreg [dreg:$0x2]  }
0x4: {  	s2 =	rddreg [dreg:$0x3]  }
0x5: {  	s0 =	rddreg [dreg:$0x4]  }
0x6: {  	s6 =	srdreg.scid;
	s7 =	stileid.u32  }
0x7: {  	s3 =	simm.s32 $0x0;
	s31 =	simm.s32 $0x330;
	s14 =	simm.s32 $0x3B0  }
0x8: {  	s15 =	simm.s32 $0x3;
	s16 =	simm.s32 $0x4;
	s17 =	simm.s32 $0x630  }
0x9: {  	s18 =	simm.s32 $0x5;
	s20 =	simm.s32 $0x4B0;
	s19 =	simm.s32 $0x6  }
0xa: {  	s21 =	simm.s32 $0x4630;
	s22 =	simm.s32 $0x530;
	s23 =	simm.s32 $0x5B0  }
0xb: {  	s6 =	sand.u32 $0x1, s6;
	s8 =	smul.u32 $0x32000, s7;
	[smem:$0x7FF] =	sst s3  }
0xc: {  	s9 =	sshll.u32 s7, $0x1;
	s11 =	sadd.s32 $0x400, s4;
	s13 =	smul.u32 $0x320000, s7  }
0xd: {  	p0 =	sne.s32 s7, $0x0;
	_ =	strace $0x80000047;
	[dreg:$0x7] =	wrdreg s31  }
0xe: {  	s10 =	smul.u32 $0x19000, s6;
	s24 =	sor.u32 s6, s9;
	[dreg:$0x8] =	wrdreg s14  }
0xf: {  	s25 =	ssub.s32 $0x2, s6;
	s6 =	smul.u32 $0x190000, s6;
	[dreg:$0x9] =	wrdreg s20  }
0x10: {  	s14 =	simm.s32 $0xC630;
	s20 =	simm.s32 $0x2;
	[dreg:$0xa] =	wrdreg s21  }
0x11: {  	s21 =	simm.s32 $0x7;
	[dreg:$0xb] =	wrdreg s22;
	s22 =	simm.s32 $0x8  }
0x12: {  	[dreg:$0xc] =	wrdreg s23;
	s23 =	simm.s32 $0x0;
	s4 =	smul.u32 $0x3200, s24  }
0x13: {  	s26 =	sshrl.u32 s25, $0x1;
	s29 =	sadd.s32 s13, s5;
	s13 =	simm.s32 $0x8630  }
0x14: {  	s8 =	sadd.s32 s10, s8;
	s9 =	ssub.s32 s25, s26;
	s6 =	sadd.s32 s6, s29  }
0x15: {  	s12 =	sshll.u32 s8, $0x4;
	s4 =	sadd.s32 s11, s4;
	[dreg:$0x6] =	wrdreg s6  }
0x16: {  	s30 =	sor.u32 $0x400, s8;
	s8 =	sshrl.u32 s8, $0x3;
	s28 =	sadd.s32 s12, s5  }
0x17: {  	s5 =	smax.u32 s9, $0x1;
	s6 =	sshrl.u32 s30, $0x3;
	s8 =	sadd.s32 s8, s11  }
0x18: {  	s9 =	simm.s32 $0x230;
	s12 =	simm.s32 $0x80;
	s10 =	sadd.s32 $0x3000, s28  }
0x19: {  	s6 =	sadd.s32 s6, s11;
	s7 =	sadd.s32 $0x40, s8;
	s8 =	sshrl.u32 @!p0 s2, $0x3  }
0x1a: {  	s11 =	simm.s32 $0x1;
	[dreg:$0x5] =	wrdreg s10;
	s10 =	simm.s32 $0x430  }
.LBB2_1:
0x1b: {  	s24 =	simm.s32 @!p0 $0x1C09  }
0x1c: {  	[spmem:s8], [sflag:s24] =	dma.local @!p0 [hbm:s1], $0x460  }
0x1d: {  	s24 =	simm.s32 @!p0 $0x9  }
0x1e: {  	_ =	swait.ge @!p0 [sflag:s24], $0x460  }
0x1f: {  	[sflag:s24] =	ssyncset.done @!p0 $0x0  }
0x20: {  	s25 =	smov.u32 s6;
	[sflag:s24] =	ssyncadd.s32 @!p0 $0xFFFFFBA0  }
0x21: {  	s26 =	simm.s32 $0x0;
	s24 =	smov.u32 s7;
	[bflag:$0x0] =	sbarrier.arrive $0xFFFF  }
0x22: {  	[tilespmem:s9], [sflag:$0x1] =	stream.linear.gather [hbm4b:s4+s3], $0x200, $0x38;
	[tilespmem:$0x10630] =	vst v63  }
.LBB2_2:
0x23: {  	[tilespmem:s10], [sflag:$0x2] =	stream.linear.gather [hbm4b:s24+s3], $0x200, $0x38;
	[tilespmem:$0x10630] =	vst v63  }
0x24: {  	_ =	swait.ge [sflag:s11], $0x200  }
0x25: {  	[sflag:s11] =	ssyncset.done $0x0  }
0x26: {  	[sflag:s11] =	ssyncadd.s32 $0xFFFFFE00  }
0x27: {  	v0 =	vld [tilespmem:$0x230]  }
0x28: {  	v1 =	vld [tilespmem:$0x240]  }
0x29: {  	v2 =	vld [tilespmem:$0x250]  }
0x2a: {  	v3 =	vld [tilespmem:$0x260]  }
0x2b: {  	v4 =	vld [tilespmem:$0x270]  }
0x2c: {  	v5 =	vld [tilespmem:$0x280];
	vm0 =	vgt.s32 v0, $0x0  }
0x2d: {  	v6 =	vld [tilespmem:$0x290];
	vm13 =	vgt.s32 v1, $0x0;
	v0 =	vnsel vm0, $0x0, v0  }
0x2e: {  	v7 =	vld [tilespmem:$0x2A0];
	vm14 =	vgt.s32 v2, $0x0;
	v1 =	vnsel vm13, $0x0, v1;
	v0 =	vmin.u32 v0, $0x45  }
0x2f: {  	v57 =	vld [tilespmem:$0x2B0];
	vm15 =	vgt.s32 v3, $0x0;
	v56 =	vnsel vm14, $0x0, v2;
	v55 =	vmin.u32 v1, $0x45;
	[tilespmem:$0x230] =	vst v0  }
0x30: {  	v60 =	vld [tilespmem:$0x2C0];
	vm4 =	vgt.s32 v4, $0x0;
	v59 =	vnsel vm15, $0x0, v3;
	v58 =	vmin.u32 v56, $0x45;
	[tilespmem:$0x240] =	vst v55  }
0x31: {  	v63 =	vld [tilespmem:$0x2D0];
	vm5 =	vgt.s32 v5, $0x0;
	v62 =	vnsel vm4, $0x0, v4;
	v61 =	vmin.u32 v59, $0x45;
	[tilespmem:$0x250] =	vst v58  }
0x32: {  	v11 =	vld [tilespmem:$0x2E0];
	vm6 =	vgt.s32 v6, $0x0;
	v10 =	vnsel vm5, $0x0, v5;
	v9 =	vmin.u32 v62, $0x45;
	[tilespmem:$0x260] =	vst v61  }
0x33: {  	v14 =	vld [tilespmem:$0x2F0];
	vm7 =	vgt.s32 v7, $0x0;
	v13 =	vnsel vm6, $0x0, v6;
	v12 =	vmin.u32 v10, $0x45;
	[tilespmem:$0x270] =	vst v9  }
0x34: {  	v17 =	vld [tilespmem:$0x300];
	vm8 =	vgt.s32 v57, $0x0;
	v16 =	vnsel vm7, $0x0, v7;
	v15 =	vmin.u32 v13, $0x45;
	[tilespmem:$0x280] =	vst v12  }
0x35: {  	v20 =	vld [tilespmem:$0x310];
	vm9 =	vgt.s32 v60, $0x0;
	v19 =	vnsel vm8, $0x0, v57;
	v18 =	vmin.u32 v16, $0x45;
	[tilespmem:$0x290] =	vst v15  }
0x36: {  	v23 =	vld [tilespmem:$0x320];
	vm10 =	vgt.s32 v63, $0x0;
	v22 =	vnsel vm9, $0x0, v60;
	v21 =	vmin.u32 v19, $0x45;
	[tilespmem:$0x2A0] =	vst v18  }
0x37: {  	v26 =	vld [tilespmem:$0x330];
	vm11 =	vgt.s32 v11, $0x0;
	v25 =	vnsel vm10, $0x0, v63;
	v24 =	vmin.u32 v22, $0x45;
	[tilespmem:$0x2B0] =	vst v21  }
0x38: {  	v29 =	vld [tilespmem:$0x340];
	vm12 =	vgt.s32 v14, $0x0;
	v28 =	vnsel vm11, $0x0, v11;
	v27 =	vmin.u32 v25, $0x45;
	[tilespmem:$0x2C0] =	vst v24  }
0x39: {  	v32 =	vld [tilespmem:$0x350];
	v31 =	vnsel vm12, $0x0, v14;
	vm13 =	vgt.s32 v17, $0x0;
	v30 =	vmin.u32 v28, $0x45;
	[tilespmem:$0x2D0] =	vst v27  }
0x3a: {  	v35 =	vld [tilespmem:$0x360];
	vm14 =	vgt.s32 v20, $0x0;
	v33 =	vmin.u32 v31, $0x45;
	v34 =	vnsel vm13, $0x0, v17;
	[tilespmem:$0x2E0] =	vst v30  }
0x3b: {  	v47 =	vld [tilespmem:$0x3A0];
	vm15 =	vgt.s32 v23, $0x0;
	v37 =	vnsel vm14, $0x0, v20;
	[tilespmem:$0x2F0] =	vst v33;
	v36 =	vmin.u32 v34, $0x45  }
0x3c: {  	v50 =	vld [tilespmem:$0x3B0];
	vm4 =	vgt.s32 v26, $0x0;
	v40 =	vnsel vm15, $0x0, v23;
	v39 =	vmin.u32 v37, $0x45;
	[tilespmem:$0x300] =	vst v36  }
0x3d: {  	v38 =	vld [tilespmem:$0x370];
	vm5 =	vgt.s32 v29, $0x0;
	v43 =	vnsel vm4, $0x0, v26;
	v42 =	vmin.u32 v40, $0x45;
	[tilespmem:$0x310] =	vst v39  }
0x3e: {  	v41 =	vld [tilespmem:$0x380];
	vm6 =	vgt.s32 v32, $0x0;
	v46 =	vnsel vm5, $0x0, v29;
	v45 =	vmin.u32 v43, $0x45;
	[tilespmem:$0x320] =	vst v42  }
0x3f: {  	v44 =	vld [tilespmem:$0x390];
	vm7 =	vgt.s32 v35, $0x0;
	v49 =	vnsel vm6, $0x0, v32;
	v48 =	vmin.u32 v46, $0x45;
	[tilespmem:$0x330] =	vst v45  }
0x40: {  	v53 =	vld [tilespmem:$0x3C0];
	vm11 =	vgt.s32 v47, $0x0;
	v52 =	vnsel vm7, $0x0, v35;
	v51 =	vmin.u32 v49, $0x45;
	[tilespmem:$0x340] =	vst v48  }
0x41: {  	vm12 =	vgt.s32 v50, $0x0;
	v56 =	vld [tilespmem:$0x3D0];
	v8 =	vnsel vm11, $0x0, v47;
	v54 =	vmin.u32 v52, $0x45;
	[tilespmem:$0x350] =	vst v51  }
0x42: {  	vm8 =	vgt.s32 v38, $0x0;
	v59 =	vld [tilespmem:$0x3E0];
	v11 =	vnsel vm12, $0x0, v50;
	v10 =	vmin.u32 v8, $0x45;
	[tilespmem:$0x360] =	vst v54  }
0x43: {  	vm9 =	vgt.s32 v41, $0x0;
	v62 =	vld [tilespmem:$0x3F0];
	v55 =	vnsel vm8, $0x0, v38;
	v13 =	vmin.u32 v11, $0x45;
	[tilespmem:$0x3A0] =	vst v10  }
0x44: {  	vm10 =	vgt.s32 v44, $0x0;
	v58 =	vnsel vm9, $0x0, v41;
	v9 =	vld [tilespmem:$0x400];
	v57 =	vmin.u32 v55, $0x45;
	[tilespmem:$0x3B0] =	vst v13  }
0x45: {  	vm13 =	vgt.s32 v53, $0x0;
	v61 =	vnsel vm10, $0x0, v44;
	v12 =	vld [tilespmem:$0x410];
	v60 =	vmin.u32 v58, $0x45;
	[tilespmem:$0x370] =	vst v57  }
0x46: {  	v14 =	vnsel vm13, $0x0, v53;
	v15 =	vld [tilespmem:$0x420];
	v63 =	vmin.u32 v61, $0x45;
	[tilespmem:$0x380] =	vst v60;
	vm14 =	vgt.s32 v56, $0x0  }
0x47: {  	v16 =	vmin.u32 v14, $0x45;
	[tilespmem:$0x390] =	vst v63;
	vm15 =	vgt.s32 v59, $0x0;
	v17 =	vnsel vm14, $0x0, v56  }
0x48: {  	[tilespmem:$0x3C0] =	vst v16;
	vm4 =	vgt.s32 v62, $0x0;
	v19 =	vnsel vm15, $0x0, v59;
	v18 =	vmin.u32 v17, $0x45  }
0x49: {  	v21 =	vnsel vm4, $0x0, v62;
	vm5 =	vgt.s32 v9, $0x0;
	v20 =	vmin.u32 v19, $0x45;
	[tilespmem:$0x3D0] =	vst v18  }
0x4a: {  	vm6 =	vgt.s32 v12, $0x0;
	v22 =	vmin.u32 v21, $0x45;
	v23 =	vnsel vm5, $0x0, v9;
	[tilespmem:$0x3E0] =	vst v20  }
0x4b: {  	vm7 =	vgt.s32 v15, $0x0;
	v25 =	vnsel vm6, $0x0, v12;
	[tilespmem:$0x3F0] =	vst v22;
	v24 =	vmin.u32 v23, $0x45  }
0x4c: {  	v27 =	vnsel vm7, $0x0, v15;
	v26 =	vmin.u32 v25, $0x45;
	[tilespmem:$0x400] =	vst v24  }
0x4d: {  	p1 =	sne.s32 s26, $0x0;
	v28 =	vmin.u32 v27, $0x45;
	[tilespmem:$0x410] =	vst v26  }
0x4e: {  	s28 =	simm.s32 @p1 $0x7;
	[tilespmem:$0x420] =	vst v28  }
0x4f: {  	_ =	swait.ge @p1 [sflag:s28], $0x8000  }
0x50: {  	s29 =	simm.s32 @p1 $0x230;
	[sflag:s28] =	ssyncset.done @p1 $0x0  }
0x51: {  	s30 =	simm.s32 @p1 $0x630;
	[sflag:s28] =	ssyncadd.s32 @p1 $0xFFFF8000;
	s28 =	simm.s32 @p1 $0x80  }
0x52: {  	[tilespmem:s30], [sflag:$0x3] =	stream.indirect.gather @p1 [spmem:s2], $0x80, s29, s28, $0xb8;
	[tilespmem:$0x10630] =	vst v63  }
0x53: {  	s29 =	simm.s32 @p1 $0x2B0;
	s30 =	simm.s32 @p1 $0x4630  }
0x54: {  	[tilespmem:s30], [sflag:$0x4] =	stream.indirect.gather @p1 [spmem:s2], $0x80, s29, s28, $0xb8;
	[tilespmem:$0x10630] =	vst v63  }
0x55: {  	s28 =	simm.s32 @p1 $0x8  }
0x56: {  	_ =	swait.ge @p1 [sflag:s28], $0x8000  }
0x57: {  	s29 =	simm.s32 @!p1 $0x230;
	[sflag:s28] =	ssyncset.done @p1 $0x0  }
0x58: {  	s30 =	simm.s32 @!p1 $0x630;
	[sflag:s28] =	ssyncadd.s32 @p1 $0xFFFF8000;
	s28 =	simm.s32 @!p1 $0x80  }
0x59: {  	[tilespmem:s30], [sflag:$0x3] =	stream.indirect.gather @!p1 [spmem:s2], $0x80, s29, s28, $0xb8;
	[tilespmem:$0x10630] =	vst v63  }
0x5a: {  	s29 =	simm.s32 @!p1 $0x2B0;
	s30 =	simm.s32 @!p1 $0x4630  }
0x5b: {  	[tilespmem:s30], [sflag:$0x4] =	stream.indirect.gather @!p1 [spmem:s2], $0x80, s29, s28, $0xb8;
	[tilespmem:$0x10630] =	vst v63  }
0x5c: {  	s31 =	rddreg [dreg:$0x7]  }
0x5d: {  	[tilespmem:s13], [sflag:$0x5] =	stream.indirect.gather [spmem:s2], $0x80, s31, s12, $0xb8;
	[tilespmem:$0x10630] =	vst v63  }
0x5e: {  	s30 =	rddreg [dreg:$0x8]  }
0x5f: {  	[tilespmem:s14], [sflag:$0x6] =	stream.indirect.gather [spmem:s2], $0x80, s30, s12, $0xb8;
	[tilespmem:$0x10630] =	vst v63  }
0x60: {  	_ =	swait.ge [sflag:s15], $0x4000  }
0x61: {  	[sflag:s15] =	ssyncset.done $0x0  }
0x62: {  	[sflag:s15] =	ssyncadd.s32 $0xFFFFC000  }
0x63: {  	_ =	swait.ge [sflag:s16], $0x4000  }
0x64: {  	s29 =	rddreg [dreg:$0x6];
	[sflag:s16] =	ssyncset.done $0x0  }
0x65: {  	[sflag:s16] =	ssyncadd.s32 $0xFFFFC000;
	s28 =	sadd.s32 s26, s29  }
0x66: {  	[hbm4b:s28+s3] =	stream.linear.scatter [tilespmem:s17], [sflag:$0x7], $0x8000, $0x38;
	[tilespmem:$0x10630] =	vst v63  }
0x67: {  	_ =	swait.ge [sflag:s18], $0x4000  }
0x68: {  	[sflag:s18] =	ssyncset.done $0x0  }
0x69: {  	[sflag:s18] =	ssyncadd.s32 $0xFFFFC000  }
0x6a: {  	_ =	swait.ge [sflag:s19], $0x4000  }
0x6b: {  	[sflag:s19] =	ssyncset.done $0x0  }
0x6c: {  	p1 =	seq.s32 s26, $0x18C000;
	s30 =	sadd.s32 $0x1000, s28;
	[sflag:s19] =	ssyncadd.s32 $0xFFFFC000  }
0x6d: {  	[hbm4b:s30+s3] =	stream.linear.scatter [tilespmem:s13], [sflag:$0x8], $0x8000, $0x38;
	[tilespmem:$0x10630] =	vst v63  }
0x6e: {  	s29 =	simm.s32 @!p1 $0x0;
	s30 =	simm.s32 @!p1 $0x230  }
0x6f: {  	[tilespmem:s30], [sflag:$0x1] =	stream.linear.gather @!p1 [hbm4b:s25+s29], $0x200, $0x38;
	[tilespmem:$0x10630] =	vst v63  }
0x70: {  	_ =	swait.ge [sflag:s20], $0x200  }
0x71: {  	[sflag:s20] =	ssyncset.done $0x0  }
0x72: {  	[sflag:s20] =	ssyncadd.s32 $0xFFFFFE00  }
0x73: {  	v29 =	vld [tilespmem:$0x430]  }
0x74: {  	v30 =	vld [tilespmem:$0x440]  }
0x75: {  	v31 =	vld [tilespmem:$0x450]  }
0x76: {  	v32 =	vld [tilespmem:$0x460]  }
0x77: {  	v33 =	vld [tilespmem:$0x470]  }
0x78: {  	v34 =	vld [tilespmem:$0x480];
	vm8 =	vgt.s32 v29, $0x0  }
0x79: {  	v35 =	vld [tilespmem:$0x490];
	vm9 =	vgt.s32 v30, $0x0;
	v0 =	vnsel vm8, $0x0, v29  }
0x7a: {  	v36 =	vld [tilespmem:$0x4A0];
	vm10 =	vgt.s32 v31, $0x0;
	v1 =	vnsel vm9, $0x0, v30;
	v0 =	vmin.u32 v0, $0x45  }
0x7b: {  	v39 =	vld [tilespmem:$0x4B0];
	vm11 =	vgt.s32 v32, $0x0;
	v38 =	vnsel vm10, $0x0, v31;
	v37 =	vmin.u32 v1, $0x45;
	[tilespmem:$0x430] =	vst v0  }
0x7c: {  	v42 =	vld [tilespmem:$0x4C0];
	vm12 =	vgt.s32 v33, $0x0;
	v41 =	vnsel vm11, $0x0, v32;
	v40 =	vmin.u32 v38, $0x45;
	[tilespmem:$0x440] =	vst v37  }
0x7d: {  	v45 =	vld [tilespmem:$0x4D0];
	vm13 =	vgt.s32 v34, $0x0;
	v44 =	vnsel vm12, $0x0, v33;
	v43 =	vmin.u32 v41, $0x45;
	[tilespmem:$0x450] =	vst v40  }
0x7e: {  	v48 =	vld [tilespmem:$0x4E0];
	vm14 =	vgt.s32 v35, $0x0;
	v47 =	vnsel vm13, $0x0, v34;
	v46 =	vmin.u32 v44, $0x45;
	[tilespmem:$0x460] =	vst v43  }
0x7f: {  	v51 =	vld [tilespmem:$0x4F0];
	vm15 =	vgt.s32 v36, $0x0;
	v50 =	vnsel vm14, $0x0, v35;
	v49 =	vmin.u32 v47, $0x45;
	[tilespmem:$0x470] =	vst v46  }
0x80: {  	v54 =	vld [tilespmem:$0x500];
	vm4 =	vgt.s32 v39, $0x0;
	v53 =	vnsel vm15, $0x0, v36;
	v52 =	vmin.u32 v50, $0x45;
	[tilespmem:$0x480] =	vst v49  }
0x81: {  	v57 =	vld [tilespmem:$0x510];
	vm5 =	vgt.s32 v42, $0x0;
	v56 =	vnsel vm4, $0x0, v39;
	v55 =	vmin.u32 v53, $0x45;
	[tilespmem:$0x490] =	vst v52  }
0x82: {  	v60 =	vld [tilespmem:$0x520];
	vm6 =	vgt.s32 v45, $0x0;
	v59 =	vnsel vm5, $0x0, v42;
	v58 =	vmin.u32 v56, $0x45;
	[tilespmem:$0x4A0] =	vst v55  }
0x83: {  	v63 =	vld [tilespmem:$0x530];
	vm7 =	vgt.s32 v48, $0x0;
	v62 =	vnsel vm6, $0x0, v45;
	v61 =	vmin.u32 v59, $0x45;
	[tilespmem:$0x4B0] =	vst v58  }
0x84: {  	v10 =	vld [tilespmem:$0x540];
	v9 =	vnsel vm7, $0x0, v48;
	vm8 =	vgt.s32 v51, $0x0;
	v8 =	vmin.u32 v62, $0x45;
	[tilespmem:$0x4C0] =	vst v61  }
0x85: {  	v13 =	vld [tilespmem:$0x550];
	vm9 =	vgt.s32 v54, $0x0;
	v11 =	vmin.u32 v9, $0x45;
	v12 =	vnsel vm8, $0x0, v51;
	[tilespmem:$0x4D0] =	vst v8  }
0x86: {  	v16 =	vld [tilespmem:$0x560];
	vm10 =	vgt.s32 v57, $0x0;
	v15 =	vnsel vm9, $0x0, v54;
	[tilespmem:$0x4E0] =	vst v11;
	v14 =	vmin.u32 v12, $0x45  }
0x87: {  	v19 =	vld [tilespmem:$0x570];
	vm11 =	vgt.s32 v60, $0x0;
	v18 =	vnsel vm10, $0x0, v57;
	v17 =	vmin.u32 v15, $0x45;
	[tilespmem:$0x4F0] =	vst v14  }
0x88: {  	v22 =	vld [tilespmem:$0x580];
	vm12 =	vgt.s32 v63, $0x0;
	v21 =	vnsel vm11, $0x0, v60;
	v20 =	vmin.u32 v18, $0x45;
	[tilespmem:$0x500] =	vst v17  }
0x89: {  	v25 =	vld [tilespmem:$0x590];
	vm13 =	vgt.s32 v10, $0x0;
	v24 =	vnsel vm12, $0x0, v63;
	v23 =	vmin.u32 v21, $0x45;
	[tilespmem:$0x510] =	vst v20  }
0x8a: {  	v28 =	vld [tilespmem:$0x5A0];
	vm14 =	vgt.s32 v13, $0x0;
	v27 =	vnsel vm13, $0x0, v10;
	v26 =	vmin.u32 v24, $0x45;
	[tilespmem:$0x520] =	vst v23  }
0x8b: {  	vm15 =	vgt.s32 v16, $0x0;
	v31 =	vld [tilespmem:$0x5B0];
	v30 =	vnsel vm14, $0x0, v13;
	v29 =	vmin.u32 v27, $0x45;
	[tilespmem:$0x530] =	vst v26  }
0x8c: {  	vm4 =	vgt.s32 v19, $0x0;
	v34 =	vld [tilespmem:$0x5C0];
	v33 =	vnsel vm15, $0x0, v16;
	v32 =	vmin.u32 v30, $0x45;
	[tilespmem:$0x540] =	vst v29  }
0x8d: {  	vm5 =	vgt.s32 v22, $0x0;
	v36 =	vnsel vm4, $0x0, v19;
	v35 =	vmin.u32 v33, $0x45;
	v37 =	vld [tilespmem:$0x5D0];
	[tilespmem:$0x550] =	vst v32  }
0x8e: {  	vm6 =	vgt.s32 v25, $0x0;
	v39 =	vnsel vm5, $0x0, v22;
	v38 =	vmin.u32 v36, $0x45;
	v40 =	vld [tilespmem:$0x5E0];
	[tilespmem:$0x560] =	vst v35  }
0x8f: {  	vm7 =	vgt.s32 v28, $0x0;
	v42 =	vnsel vm6, $0x0, v25;
	v41 =	vmin.u32 v39, $0x45;
	v43 =	vld [tilespmem:$0x5F0];
	[tilespmem:$0x570] =	vst v38  }
0x90: {  	v45 =	vnsel vm7, $0x0, v28;
	v44 =	vmin.u32 v42, $0x45;
	v46 =	vld [tilespmem:$0x600];
	[tilespmem:$0x580] =	vst v41;
	vm8 =	vgt.s32 v31, $0x0  }
0x91: {  	v47 =	vmin.u32 v45, $0x45;
	v49 =	vld [tilespmem:$0x610];
	[tilespmem:$0x590] =	vst v44;
	vm9 =	vgt.s32 v34, $0x0;
	v48 =	vnsel vm8, $0x0, v31  }
0x92: {  	v52 =	vld [tilespmem:$0x620];
	[tilespmem:$0x5A0] =	vst v47;
	v51 =	vnsel vm9, $0x0, v34;
	v50 =	vmin.u32 v48, $0x45;
	vm10 =	vgt.s32 v37, $0x0  }
0x93: {  	v53 =	vmin.u32 v51, $0x45;
	vm11 =	vgt.s32 v40, $0x0;
	[tilespmem:$0x5B0] =	vst v50;
	v54 =	vnsel vm10, $0x0, v37  }
0x94: {  	vm12 =	vgt.s32 v43, $0x0;
	[tilespmem:$0x5C0] =	vst v53;
	v56 =	vnsel vm11, $0x0, v40;
	v55 =	vmin.u32 v54, $0x45  }
0x95: {  	vm13 =	vgt.s32 v46, $0x0;
	v58 =	vnsel vm12, $0x0, v43;
	v57 =	vmin.u32 v56, $0x45;
	[tilespmem:$0x5D0] =	vst v55  }
0x96: {  	vm14 =	vgt.s32 v49, $0x0;
	v60 =	vnsel vm13, $0x0, v46;
	v59 =	vmin.u32 v58, $0x45;
	[tilespmem:$0x5E0] =	vst v57  }
0x97: {  	vm15 =	vgt.s32 v52, $0x0;
	v62 =	vnsel vm14, $0x0, v49;
	v61 =	vmin.u32 v60, $0x45;
	[tilespmem:$0x5F0] =	vst v59  }
0x98: {  	v63 =	vnsel vm15, $0x0, v52;
	v1 =	vmin.u32 v62, $0x45;
	[tilespmem:$0x600] =	vst v61  }
0x99: {  	v0 =	vmin.u32 v63, $0x45;
	[tilespmem:$0x610] =	vst v1  }
0x9a: {  	[tilespmem:$0x620] =	vst v0  }
0x9b: {  	_ =	swait.ge [sflag:s21], $0x8000  }
0x9c: {  	[sflag:s21] =	ssyncset.done $0x0  }
0x9d: {  	s29 =	rddreg [dreg:$0x9];
	[sflag:s21] =	ssyncadd.s32 $0xFFFF8000  }
0x9e: {  	[tilespmem:s17], [sflag:$0x3] =	stream.indirect.gather [spmem:s2], $0x80, s10, s12, $0xb8;
	[tilespmem:$0x10630] =	vst v63  }
0x9f: {  	s31 =	rddreg [dreg:$0xa]  }
0xa0: {  	[tilespmem:s31], [sflag:$0x4] =	stream.indirect.gather [spmem:s2], $0x80, s29, s12, $0xb8;
	[tilespmem:$0x10630] =	vst v63  }
0xa1: {  	_ =	swait.ge [sflag:s22], $0x8000  }
0xa2: {  	[sflag:s22] =	ssyncset.done $0x0  }
0xa3: {  	s29 =	rddreg [dreg:$0xb];
	[sflag:s22] =	ssyncadd.s32 $0xFFFF8000  }
0xa4: {  	[tilespmem:s13], [sflag:$0x5] =	stream.indirect.gather [spmem:s2], $0x80, s29, s12, $0xb8;
	[tilespmem:$0x10630] =	vst v63  }
0xa5: {  	s31 =	rddreg [dreg:$0xc]  }
0xa6: {  	[tilespmem:s14], [sflag:$0x6] =	stream.indirect.gather [spmem:s2], $0x80, s31, s12, $0xb8;
	[tilespmem:$0x10630] =	vst v63  }
0xa7: {  	_ =	swait.ge [sflag:s15], $0x4000  }
0xa8: {  	[sflag:s15] =	ssyncset.done $0x0  }
0xa9: {  	[sflag:s15] =	ssyncadd.s32 $0xFFFFC000  }
0xaa: {  	_ =	swait.ge [sflag:s16], $0x4000  }
0xab: {  	[sflag:s16] =	ssyncset.done $0x0  }
0xac: {  	s28 =	sadd.s32 $0x2000, s28;
	[sflag:s16] =	ssyncadd.s32 $0xFFFFC000  }
0xad: {  	[hbm4b:s28+s3] =	stream.linear.scatter [tilespmem:s17], [sflag:$0x7], $0x8000, $0x38;
	[tilespmem:$0x10630] =	vst v63  }
0xae: {  	_ =	swait.ge [sflag:s18], $0x4000  }
0xaf: {  	[sflag:s18] =	ssyncset.done $0x0  }
0xb0: {  	[sflag:s18] =	ssyncadd.s32 $0xFFFFC000  }
0xb1: {  	_ =	swait.ge [sflag:s19], $0x4000  }
0xb2: {  	s31 =	rddreg [dreg:$0x5]  }
0xb3: {  	s28 =	sadd.s32 s26, s31;
	s26 =	sadd.s32 $0x4000, s26  }
0xb4: {  	p1 =	sne.s32 s26, $0x190000  }
.Ltmp0:
0xb5: {  	_ = 	snop;
	(pc) =	sbr.rel @p1 .LBB2_2-.Ltmp0, $4  }
0xb6: {  	_ = 	snop  }
0xb7: {  	[sflag:s19] =	ssyncset.done $0x0  }
0xb8: {  	s24 =	sadd.s32 $0x80, s24;
	s25 =	sadd.s32 $0x80, s25;
	[sflag:s19] =	ssyncadd.s32 $0xFFFFC000  }
0xb9: {  	[hbm4b:s28+s3] =	stream.linear.scatter [tilespmem:s13], [sflag:$0x8], $0x8000, $0x38;
	[tilespmem:$0x10630] =	vst v63  }
0xba: {  	s23 =	sadd.s32 $0x1, s23  }
0xbb: {  	_ =	swait.ge [sflag:s21], $0x8000;
	p1 =	sne.s32 s23, s5  }
.Ltmp1:
0xbc: {  	[sflag:s21] =	ssyncset.done $0x0;
	(pc) =	sbr.rel @p1 .LBB2_1-.Ltmp1, $4  }
0xbd: {  	[sflag:s21] =	ssyncadd.s32 $0xFFFF8000  }
0xbe: {  	_ =	swait.ge [sflag:s22], $0x8000  }
0xbf: {  	[sflag:s22] =	ssyncset.done $0x0  }
0xc0: {  	[sflag:s22] =	ssyncadd.s32 $0xFFFF8000  }
0xc1: {  	_ =	sfence.sel $0x180000  }
0xc2: {  	[bflag:$0x0] =	sbarrier.arrive $0xFFFF  }
0xc3: {  	_ =	strace $0x90000047  }
0xc4: {  	s0 =	sadd.s32 @!p0 $0x100000, s0;
	[bflag:$0x2] =	sbarrier.arrive $0xFFFF  }
0xc5: {  	[sflag:s0] =	ssyncadd.tile.s32 @!p0 $0x1;
	_ =	shalt  }
.Lfunc_end2:
_tile_overlayer_lowered:
.L_overlay_start_2:
0xc6: {  	(tag) =	ssettag $0x2  }
0xc7: {  	s0 =	rddreg [dreg:$0x0];
	s2 =	stileid.u32  }
0xc8: {  	s1 =	rddreg [dreg:$0x1];
	p0 =	sne.s32 s2, $0x0  }
0xc9: {  	s3 =	rddreg [dreg:$0x2];
	[bflag:$0x3] =	sbarrier.arrive $0xFFFF;
	s2 =	simm.s32 @!p0 $0x1C09  }
0xca: {  	[timem:s3], [sflag:s2] =	dma.local @!p0 [hbm:s0], s1  }
0xcb: {  	s0 =	simm.s32 @!p0 $0x9  }
0xcc: {  	_ =	swait.ge @!p0 [sflag:s0], s1  }
0xcd: {  	s1 =	ssub.s32 @!p0 $0x0, s1;
	[sflag:s0] =	ssyncset.done @!p0 $0x0  }
0xce: {  	[sflag:s0] =	ssyncadd.s32 @!p0 s1  }
0xcf: {  	[bflag:$0x3] =	sbarrier.arrive $0xFFFF  }
0xd0: {  	_ =	shalt  }

</sc_bundles>
